<compile_context>
chip_gen: v7x
topology: tpu7x:2x2x1
jax: 0.10.2.dev20260603
libtpu: 0.0.44.dev20260713+nightly
codegen_flags: <defaults>
</compile_context>

<pallas_src>
import dataclasses
import functools

import jax
import jax.numpy as jnp
from jax import lax
from jax.experimental import pallas as pl
from jax.experimental.pallas import tpu as pltpu
from jax.experimental.pallas import tpu_sc as plsc

N = 10000
D = 128
E = 320000
NC = 2
NS = 16
NW = NC * NS
CHUNK = 80
NCHUNK = E // CHUNK
CPW = NCHUNK // NW
ROWS_PAD = 10240
RPS = ROWS_PAD // NS
DUMP = N
AGG_ROWS = ROWS_PAD
CH_S = 125
CPW_S = -(-(E // NW) // CH_S)
EPAD = NW * CPW_S * CH_S


def _sc_compiler_params():
    cp = pltpu.CompilerParams()
    if "needs_layout_passes" in pltpu.CompilerParams.__dataclass_fields__:
        cp = dataclasses.replace(cp, needs_layout_passes=False)
    return cp


@functools.cache
def _get_sc_prep():
    mesh = plsc.VectorSubcoreMesh(core_axis_name="c", subcore_axis_name="s")
    return functools.partial(
        pl.kernel,
        out_type=[
            jax.ShapeDtypeStruct((NW, CPW, CHUNK), jnp.int32),
            jax.ShapeDtypeStruct((NW, ROWS_PAD), jnp.float32),
            jax.ShapeDtypeStruct((NW, ROWS_PAD), jnp.float32),
        ],
        mesh=mesh,
        compiler_params=_sc_compiler_params(),
        scratch_types=[
            pltpu.VMEM((CPW, CHUNK), jnp.int32),
            pltpu.VMEM((CPW, CHUNK), jnp.int32),
            pltpu.VMEM((CPW, CHUNK), jnp.int32),
            pltpu.VMEM((ROWS_PAD,), jnp.float32),
            pltpu.VMEM((ROWS_PAD,), jnp.float32),
        ],
    )(_sc_prep_body)


def _sc_prep_body(src_hbm, dst_hbm, dstm_hbm, dego_hbm, degi_hbm,
                  src_v, dst_v, dstm_v, dego_p, degi_p):
    c = lax.axis_index("c")
    s = lax.axis_index("s")
    wid = c * NS + s

    @pl.loop(0, ROWS_PAD // 16)
    def _(i):
        z = jnp.zeros((16,), jnp.float32)
        dego_p[pl.ds(i * 16, 16)] = z
        degi_p[pl.ds(i * 16, 16)] = z

    pltpu.sync_copy(src_hbm.at[wid], src_v)
    pltpu.sync_copy(dst_hbm.at[wid], dst_v)
    ones16 = jnp.full((16,), 1.0, jnp.float32)
    dump = jnp.full((16,), DUMP, jnp.int32)

    @pl.loop(0, CPW)
    def _(i):
        for j in range(CHUNK // 16):
            sl = pl.ds(j * 16, 16)
            sv = src_v[i, sl]
            dv = dst_v[i, sl]
            m = sv == dv
            sm = jnp.where(m, dump, sv)
            dm = jnp.where(m, dump, dv)
            dstm_v[i, sl] = dm
            plsc.addupdate_scatter(dego_p, [sm], ones16)
            plsc.addupdate_scatter(degi_p, [dm], ones16)

    pltpu.sync_copy(dstm_v, dstm_hbm.at[wid])
    pltpu.sync_copy(dego_p, dego_hbm.at[wid])
    pltpu.sync_copy(degi_p, degi_hbm.at[wid])


@functools.cache
def _get_sc_scatter():
    mesh = plsc.VectorSubcoreMesh(core_axis_name="c", subcore_axis_name="s")
    return functools.partial(
        pl.kernel,
        out_type=jax.ShapeDtypeStruct((NC, ROWS_PAD, D), jnp.float32),
        mesh=mesh,
        scratch_types=[
            pltpu.VMEM((CPW_S, CH_S), jnp.int32),
            pltpu.VMEM((CPW_S, CH_S), jnp.int32),
            pltpu.VMEM((CH_S, D), jnp.float32),
            pltpu.VMEM_SHARED((AGG_ROWS, D), jnp.float32),
        ],
    )(_sc_scatter_body)


def _sc_scatter_body(f_hbm, src_hbm, dstm_hbm, part_hbm,
                     src_v, dstm_v, buf0, agg_sh):
    c = lax.axis_index("c")
    s = lax.axis_index("s")
    wid = c * NS + s
    base = s * RPS

    @pl.loop(0, 64)
    def _(i):
        for j in range(D // 16):
            buf0[i, pl.ds(j * 16, 16)] = jnp.zeros((16,), jnp.float32)

    @pl.loop(0, RPS // 64)
    def _(j):
        pltpu.sync_copy(buf0.at[pl.ds(0, 64)],
                        agg_sh.at[pl.ds(base + j * 64, 64)])

    plsc.subcore_barrier()

    pltpu.sync_copy(src_hbm.at[wid], src_v)
    pltpu.sync_copy(dstm_hbm.at[wid], dstm_v)

    @pl.loop(0, CPW_S)
    def _(i):
        pltpu.sync_copy(f_hbm.at[src_v.at[i]], buf0)
        pltpu.sync_copy(buf0, agg_sh.at[dstm_v.at[i]], add=True)

    plsc.subcore_barrier()

    sl = pl.ds(base, RPS)
    pltpu.sync_copy(agg_sh.at[sl], part_hbm.at[c, sl])


_BR = 5120
_NBLK = ROWS_PAD // _BR


def _tc_setup_body(x_ref, dego_ref, degi_ref, W_ref, f_ref, ns_ref, nd_ref):
    dego = jnp.sum(dego_ref[...], axis=0)[:, None] + 1.0
    degi = jnp.sum(degi_ref[...], axis=0)[:, None] + 1.0
    ns = lax.rsqrt(dego)
    nd = lax.rsqrt(degi)
    ns_ref[...] = ns
    nd_ref[...] = nd
    f_ref[...] = jnp.dot(x_ref[...] * ns, W_ref[...],
                         preferred_element_type=jnp.float32)


def _tc_setup(x, dego, degi, W0):
    return pl.pallas_call(
        _tc_setup_body,
        grid=(_NBLK,),
        in_specs=[
            pl.BlockSpec((_BR, D), lambda i: (i, 0)),
            pl.BlockSpec((NW, _BR), lambda i: (0, i)),
            pl.BlockSpec((NW, _BR), lambda i: (0, i)),
            pl.BlockSpec((D, D), lambda i: (0, 0)),
        ],
        out_specs=[
            pl.BlockSpec((_BR, D), lambda i: (i, 0)),
            pl.BlockSpec((_BR, 1), lambda i: (i, 0)),
            pl.BlockSpec((_BR, 1), lambda i: (i, 0)),
        ],
        out_shape=[
            jax.ShapeDtypeStruct((ROWS_PAD, D), jnp.float32),
            jax.ShapeDtypeStruct((ROWS_PAD, 1), jnp.float32),
            jax.ShapeDtypeStruct((ROWS_PAD, 1), jnp.float32),
        ],
    )(x, dego, degi, W0)


def _gate(h, nxt, Wg1, Wg2, bg2):
    z = (jnp.dot(h, Wg1, preferred_element_type=jnp.float32)
         + jnp.dot(nxt, Wg2, preferred_element_type=jnp.float32) + bg2)
    scale = jax.nn.sigmoid(z)
    return h * scale + nxt * (1.0 - scale)


def _tc_post_body(p_ref, f_ref, h_ref, nd_ref, ns_ref, b_ref, Wg1_ref,
                  Wg2_ref, bg2_ref, Wn_ref, hn_ref, fn_ref):
    agg = (p_ref[0] + p_ref[1] + f_ref[...]) * nd_ref[...] + b_ref[...]
    nxt = jnp.where(agg > 0, agg, 0.01 * agg)
    hn = _gate(h_ref[...], nxt, Wg1_ref[...], Wg2_ref[...], bg2_ref[...])
    hn_ref[...] = hn
    fn_ref[...] = jnp.dot(hn * ns_ref[...], Wn_ref[...],
                          preferred_element_type=jnp.float32)


def _tc_post_final_body(p_ref, f_ref, h_ref, nd_ref, b_ref, Wg1_ref,
                        Wg2_ref, bg2_ref, hn_ref):
    agg = (p_ref[0] + p_ref[1] + f_ref[...]) * nd_ref[...] + b_ref[...]
    nxt = jnp.where(agg > 0, agg, 0.01 * agg)
    hn_ref[...] = _gate(h_ref[...], nxt, Wg1_ref[...], Wg2_ref[...],
                        bg2_ref[...])


_row_spec = pl.BlockSpec((_BR, D), lambda i: (i, 0))
_part_spec = pl.BlockSpec((NC, _BR, D), lambda i: (0, i, 0))
_norm_spec = pl.BlockSpec((_BR, 1), lambda i: (i, 0))
_w_spec = pl.BlockSpec((D, D), lambda i: (0, 0))
_b_spec = pl.BlockSpec((1, D), lambda i: (0, 0))


def _tc_post(part, f, h, nd, ns, b, Wg1, Wg2, bg2, Wn):
    return pl.pallas_call(
        _tc_post_body,
        grid=(_NBLK,),
        in_specs=[_part_spec, _row_spec, _row_spec, _norm_spec, _norm_spec,
                  _b_spec, _w_spec, _w_spec, _b_spec, _w_spec],
        out_specs=[_row_spec, _row_spec],
        out_shape=[
            jax.ShapeDtypeStruct((ROWS_PAD, D), jnp.float32),
            jax.ShapeDtypeStruct((ROWS_PAD, D), jnp.float32),
        ],
    )(part, f, h, nd, ns, b, Wg1, Wg2, bg2, Wn)


def _tc_post_final(part, f, h, nd, b, Wg1, Wg2, bg2):
    return pl.pallas_call(
        _tc_post_final_body,
        grid=(_NBLK,),
        in_specs=[_part_spec, _row_spec, _row_spec, _norm_spec,
                  _b_spec, _w_spec, _w_spec, _b_spec],
        out_specs=_row_spec,
        out_shape=jax.ShapeDtypeStruct((ROWS_PAD, D), jnp.float32),
    )(part, f, h, nd, b, Wg1, Wg2, bg2)


def kernel(x, edge_index, W0, b0, W1, b1, W2, b2, Wg1, Wg2, bg2):
    src = edge_index[0].reshape(NW, CPW, CHUNK)
    dst = edge_index[1].reshape(NW, CPW, CHUNK)
    dstm, dego, degi = _get_sc_prep()(src, dst)
    xp = jnp.pad(x, ((0, ROWS_PAD - N), (0, 0)))
    f, ns, nd = _tc_setup(xp, dego, degi, W0)
    h = xp
    bs = [b0.reshape(1, D), b1.reshape(1, D), b2.reshape(1, D)]
    bg2r = bg2.reshape(1, D)
    next_W = [W1, W2, None]
    if EPAD == E:
        src_s = edge_index[0].reshape(NW, CPW_S, CH_S)
        dstm_s = dstm.reshape(NW, CPW_S, CH_S)
    else:
        padi = jnp.zeros((EPAD - E,), jnp.int32)
        src_s = jnp.concatenate([edge_index[0], padi]).reshape(
            NW, CPW_S, CH_S)
        dstm_s = jnp.concatenate(
            [dstm.reshape(E), jnp.full((EPAD - E,), DUMP, jnp.int32)]
        ).reshape(NW, CPW_S, CH_S)
    for l in range(3):
        part = _get_sc_scatter()(f, src_s, dstm_s)
        if l < 2:
            h, f = _tc_post(part, f, h, nd, ns, bs[l], Wg1, Wg2, bg2r,
                            next_W[l])
        else:
            h = _tc_post_final(part, f, h, nd, bs[l], Wg1, Wg2, bg2r)
    return h[:N]

# --- scband reference (transcript-rebuilt; emitter-appended) ---
"""Pipeline reference for scband-gate-gcn-65103114272771 (READ-ONLY COPY).

The authoritative reference and input builder live on the scoring server;
editing this copy changes nothing except your own understanding.
"""

import jax, jax.numpy as jnp
import numpy as np

N = 10000
E = 320000
D = 128
L = 3


def setup_inputs(seed: int = 0) -> dict:
    key = jax.random.key(seed)
    ks = jax.random.split(key, 16)
    inp = {}
    inp["x"] = jax.random.normal(ks[0], (N, D), dtype=jnp.float32)
    inp["edge_index"] = jax.random.randint(ks[1], (2, E), 0, N, dtype=jnp.int32)
    # GraphConv weights/biases per layer (dgl GraphConv: weight [in,out], bias [out])
    for l in range(L):
        inp[f"W{l}"] = jax.random.normal(ks[2 + l], (D, D), dtype=jnp.float32) * 0.05
        inp[f"b{l}"] = jax.random.normal(ks[5 + l], (D,), dtype=jnp.float32) * 0.05
    # GatedLayer: first_linear (no bias), second_linear (bias). share_gate_layer=False -> single gate.
    inp["Wg1"] = jax.random.normal(ks[8], (D, D), dtype=jnp.float32) * 0.05
    inp["Wg2"] = jax.random.normal(ks[9], (D, D), dtype=jnp.float32) * 0.05
    inp["bg2"] = jax.random.normal(ks[10], (D,), dtype=jnp.float32) * 0.05
    return inp


def reference(x, edge_index, W0, b0, W1, b1, W2, b2, Wg1, Wg2, bg2):
    # drop_out=0, drop_edge=0 -> identity. remove_self_loop then add_self_loop per layer;
    # since the graph never changes, precompute once.
    src = edge_index[0]
    dst = edge_index[1]
    w = (src != dst).astype(jnp.float32)
    loop = jnp.arange(N, dtype=src.dtype)
    src = jnp.concatenate([src, loop])
    dst = jnp.concatenate([dst, loop])
    w = jnp.concatenate([w, jnp.ones((N,), jnp.float32)])
    deg_out = jnp.zeros((N,), jnp.float32).at[src].add(w)
    deg_in = jnp.zeros((N,), jnp.float32).at[dst].add(w)
    norm_src = jnp.where(deg_out > 0, jax.lax.rsqrt(deg_out), 0.0)
    norm_dst = jnp.where(deg_in > 0, jax.lax.rsqrt(deg_in), 0.0)

    Ws = [W0, W1, W2]
    bs = [b0, b1, b2]
    h = x
    for l in range(L):
        # dgl GraphConv, norm='both': src-normalize, weight (in<=out so weight first), scatter-sum, dst-normalize, bias
        f = h * norm_src[:, None]
        f = f @ Ws[l]
        agg = jnp.zeros((N, D), jnp.float32).at[dst].add(f[src] * w[:, None])
        agg = agg * norm_dst[:, None] + bs[l]
        # LeakyReLU (default negative_slope=0.01)
        nxt = jnp.where(agg > 0, agg, 0.01 * agg)
        # GatedLayer(first_input=h, second_input=nxt)
        scale = jax.nn.sigmoid(h @ Wg1 + nxt @ Wg2 + bg2)
        h = h * scale + nxt * (1.0 - scale)
    return h

if __name__ == "__main__":
    import jax
    _d = setup_inputs()
    print(jax.jit(kernel)(*tuple(_d.values())))

</pallas_src>

<mosaic_0001>
#map = affine_map<(d0, d1) -> (0, 0, 0)>
#map1 = affine_map<(d0, d1) -> (0, 0)>
module attributes {stable_mosaic.version = 14 : i64} {
  func.func @_sc_prep_body(%arg0: i32, %arg1: i32, %arg2: memref<32x125x80xi32, #tpu.memory_space<hbm>>, %arg3: memref<32x125x80xi32, #tpu.memory_space<hbm>>, %arg4: memref<32x125x80xi32, #tpu.memory_space<hbm>>, %arg5: memref<32x10240xf32, #tpu.memory_space<hbm>>, %arg6: memref<32x10240xf32, #tpu.memory_space<hbm>>, %arg7: memref<125x80xi32, #tpu.memory_space<vmem>>, %arg8: memref<125x80xi32, #tpu.memory_space<vmem>>, %arg9: memref<125x80xi32, #tpu.memory_space<vmem>>, %arg10: memref<10240xf32, #tpu.memory_space<vmem>>, %arg11: memref<10240xf32, #tpu.memory_space<vmem>>) attributes {dimension_semantics = [#tpu.dimension_semantics<core_parallel>, #tpu.dimension_semantics<subcore_parallel>], iteration_bounds = array<i64: 2, 16>, scalar_prefetch = 0 : i64, scratch_operands = 5 : i64, tpu.core_type = #tpu.core_type<sc_vector_subcore>, window_params = [{transform_indices = #map}, {transform_indices = #map}, {transform_indices = #map}, {transform_indices = #map1}, {transform_indices = #map1}]} {
    %mul3A = arith.constant 16 : i32
    %mul3A_0 = arith.muli %arg0, %mul3A : i32
    %add3A = arith.addi %mul3A_0, %arg1 : i32
    %scan3A = arith.constant 0 : i32
    %scan3A_1 = arith.constant 640 : i32
    %scan3A_2 = arith.addi %scan3A, %scan3A_1 : i32
    %scan3A_3 = arith.constant 1 : i32
    scf.for %scan3A_13 = %scan3A to %scan3A_2 step %scan3A_3  : i32 {
      %mul3A_14 = arith.constant 1 : i32
      %mul3A_15 = arith.muli %scan3A_13, %mul3A_14 : i32
      %add3A_16 = arith.constant 0 : i32
      %add3A_17 = arith.addi %add3A_16, %mul3A_15 : i32
      %broadcast_in_dim3A_18 = arith.constant 0.000000e+00 : f32
      %broadcast_in_dim3A_19 = vector.broadcast %broadcast_in_dim3A_18 : f32 to vector<16xf32>
      %mul3A_20 = arith.constant 16 : i32
      %mul3A_21 = arith.muli %add3A_17, %mul3A_20 : i32
      %swap3A = arith.index_cast %mul3A_21 : i32 to index
      %swap3A_22 = tpu.vector_load %arg10[%swap3A] {strides = array<i32>} : memref<10240xf32, #tpu.memory_space<vmem>>, vector<16xf32>,
      tpu.vector_store %arg10[%swap3A], %broadcast_in_dim3A_19 {strides = array<i32>} : memref<10240xf32, #tpu.memory_space<vmem>>, vector<16xf32>,
      %mul3A_23 = arith.constant 16 : i32
      %mul3A_24 = arith.muli %add3A_17, %mul3A_23 : i32
      %swap3A_25 = arith.index_cast %mul3A_24 : i32 to index
      %swap3A_26 = tpu.vector_load %arg11[%swap3A_25] {strides = array<i32>} : memref<10240xf32, #tpu.memory_space<vmem>>, vector<16xf32>,
      tpu.vector_store %arg11[%swap3A_25], %broadcast_in_dim3A_19 {strides = array<i32>} : memref<10240xf32, #tpu.memory_space<vmem>>, vector<16xf32>,
    }
    %scan3A_4 = arith.constant 640 : i32
    "tpu.region"() ({
      %run_scoped3A = tpu.sem_alloc : memref<!tpu.dma_semaphore, #tpu.memory_space<semaphore_mem>>
      %dma_start3A = arith.constant 0 : i32
      %dma_start3A_13 = arith.constant 0 : i32
      %dma_start3A_14 = tpu.memref_slice %arg2[%add3A, %dma_start3A, %dma_start3A_13] : memref<32x125x80xi32, #tpu.memory_space<hbm>> -> memref<1x125x80xi32, #tpu.memory_space<hbm>>
      %dma_start3A_15 = tpu.memref_squeeze %dma_start3A_14 : memref<1x125x80xi32, #tpu.memory_space<hbm>> -> memref<125x80xi32, #tpu.memory_space<hbm>>
      %dma_start3A_16 = arith.constant 0 : i32
      %dma_start3A_17 = arith.constant 0 : i32
      %dma_start3A_18 = tpu.memref_slice %arg2[%add3A, %dma_start3A_16, %dma_start3A_17] : memref<32x125x80xi32, #tpu.memory_space<hbm>> -> memref<1x125x80xi32, #tpu.memory_space<hbm>>
      %dma_start3A_19 = tpu.memref_squeeze %dma_start3A_18 : memref<1x125x80xi32, #tpu.memory_space<hbm>> -> memref<125x80xi32, #tpu.memory_space<hbm>>
      tpu.enqueue_dma source(%dma_start3A_19 : memref<125x80xi32, #tpu.memory_space<hbm>>) target(%arg7 : memref<125x80xi32, #tpu.memory_space<vmem>>) target_semaphore(%run_scoped3A : memref<!tpu.dma_semaphore, #tpu.memory_space<semaphore_mem>>)
      %dma_wait3A = arith.constant 0 : i32
      %dma_wait3A_20 = arith.constant 0 : i32
      %dma_wait3A_21 = tpu.memref_slice %arg2[%add3A, %dma_wait3A, %dma_wait3A_20] : memref<32x125x80xi32, #tpu.memory_space<hbm>> -> memref<1x125x80xi32, #tpu.memory_space<hbm>>
      %dma_wait3A_22 = tpu.memref_squeeze %dma_wait3A_21 : memref<1x125x80xi32, #tpu.memory_space<hbm>> -> memref<125x80xi32, #tpu.memory_space<hbm>>
      %dma_wait3A_23 = arith.constant 0 : i32
      %dma_wait3A_24 = arith.constant 0 : i32
      %dma_wait3A_25 = tpu.memref_slice %arg2[%add3A, %dma_wait3A_23, %dma_wait3A_24] : memref<32x125x80xi32, #tpu.memory_space<hbm>> -> memref<1x125x80xi32, #tpu.memory_space<hbm>>
      %dma_wait3A_26 = tpu.memref_squeeze %dma_wait3A_25 : memref<1x125x80xi32, #tpu.memory_space<hbm>> -> memref<125x80xi32, #tpu.memory_space<hbm>>
      tpu.wait_dma2 semaphore(%run_scoped3A : memref<!tpu.dma_semaphore, #tpu.memory_space<semaphore_mem>>) src(%dma_wait3A_26 : memref<125x80xi32, #tpu.memory_space<hbm>>) dst(%arg7 : memref<125x80xi32, #tpu.memory_space<vmem>>)
      tpu.yield
    }) : () -> ()
    "tpu.region"() ({
      %run_scoped3A = tpu.sem_alloc : memref<!tpu.dma_semaphore, #tpu.memory_space<semaphore_mem>>
      %dma_start3A = arith.constant 0 : i32
      %dma_start3A_13 = arith.constant 0 : i32
      %dma_start3A_14 = tpu.memref_slice %arg3[%add3A, %dma_start3A, %dma_start3A_13] : memref<32x125x80xi32, #tpu.memory_space<hbm>> -> memref<1x125x80xi32, #tpu.memory_space<hbm>>
      %dma_start3A_15 = tpu.memref_squeeze %dma_start3A_14 : memref<1x125x80xi32, #tpu.memory_space<hbm>> -> memref<125x80xi32, #tpu.memory_space<hbm>>
      %dma_start3A_16 = arith.constant 0 : i32
      %dma_start3A_17 = arith.constant 0 : i32
      %dma_start3A_18 = tpu.memref_slice %arg3[%add3A, %dma_start3A_16, %dma_start3A_17] : memref<32x125x80xi32, #tpu.memory_space<hbm>> -> memref<1x125x80xi32, #tpu.memory_space<hbm>>
      %dma_start3A_19 = tpu.memref_squeeze %dma_start3A_18 : memref<1x125x80xi32, #tpu.memory_space<hbm>> -> memref<125x80xi32, #tpu.memory_space<hbm>>
      tpu.enqueue_dma source(%dma_start3A_19 : memref<125x80xi32, #tpu.memory_space<hbm>>) target(%arg8 : memref<125x80xi32, #tpu.memory_space<vmem>>) target_semaphore(%run_scoped3A : memref<!tpu.dma_semaphore, #tpu.memory_space<semaphore_mem>>)
      %dma_wait3A = arith.constant 0 : i32
      %dma_wait3A_20 = arith.constant 0 : i32
      %dma_wait3A_21 = tpu.memref_slice %arg3[%add3A, %dma_wait3A, %dma_wait3A_20] : memref<32x125x80xi32, #tpu.memory_space<hbm>> -> memref<1x125x80xi32, #tpu.memory_space<hbm>>
      %dma_wait3A_22 = tpu.memref_squeeze %dma_wait3A_21 : memref<1x125x80xi32, #tpu.memory_space<hbm>> -> memref<125x80xi32, #tpu.memory_space<hbm>>
      %dma_wait3A_23 = arith.constant 0 : i32
      %dma_wait3A_24 = arith.constant 0 : i32
      %dma_wait3A_25 = tpu.memref_slice %arg3[%add3A, %dma_wait3A_23, %dma_wait3A_24] : memref<32x125x80xi32, #tpu.memory_space<hbm>> -> memref<1x125x80xi32, #tpu.memory_space<hbm>>
      %dma_wait3A_26 = tpu.memref_squeeze %dma_wait3A_25 : memref<1x125x80xi32, #tpu.memory_space<hbm>> -> memref<125x80xi32, #tpu.memory_space<hbm>>
      tpu.wait_dma2 semaphore(%run_scoped3A : memref<!tpu.dma_semaphore, #tpu.memory_space<semaphore_mem>>) src(%dma_wait3A_26 : memref<125x80xi32, #tpu.memory_space<hbm>>) dst(%arg8 : memref<125x80xi32, #tpu.memory_space<vmem>>)
      tpu.yield
    }) : () -> ()
    %broadcast_in_dim3A = arith.constant 1.000000e+00 : f32
    %broadcast_in_dim3A_5 = vector.broadcast %broadcast_in_dim3A : f32 to vector<16xf32>
    %broadcast_in_dim3A_6 = arith.constant 10000 : i32
    %broadcast_in_dim3A_7 = vector.broadcast %broadcast_in_dim3A_6 : i32 to vector<16xi32>
    %scan3A_8 = arith.constant 0 : i32
    %scan3A_9 = arith.constant 125 : i32
    %scan3A_10 = arith.addi %scan3A_8, %scan3A_9 : i32
    %scan3A_11 = arith.constant 1 : i32
    scf.for %scan3A_13 = %scan3A_8 to %scan3A_10 step %scan3A_11  : i32 {
      %mul3A_14 = arith.constant 1 : i32
      %mul3A_15 = arith.muli %scan3A_13, %mul3A_14 : i32
      %add3A_16 = arith.constant 0 : i32
      %add3A_17 = arith.addi %add3A_16, %mul3A_15 : i32
      %get3A = arith.index_cast %add3A_17 : i32 to index
      %get3A_18 = arith.constant 0 : index
      %get3A_19 = tpu.vector_load %arg7[%get3A, %get3A_18] {strides = array<i32>} : memref<125x80xi32, #tpu.memory_space<vmem>>, vector<16xi32>,
      %get3A_20 = arith.index_cast %add3A_17 : i32 to index
      %get3A_21 = arith.constant 0 : index
      %get3A_22 = tpu.vector_load %arg8[%get3A_20, %get3A_21] {strides = array<i32>} : memref<125x80xi32, #tpu.memory_space<vmem>>, vector<16xi32>,
      %eq3A = arith.cmpi eq, %get3A_19, %get3A_22 : vector<16xi32>
      %select_n3A = arith.select %eq3A, %broadcast_in_dim3A_7, %get3A_19 : vector<16xi1>, vector<16xi32>
      %select_n3A_23 = arith.select %eq3A, %broadcast_in_dim3A_7, %get3A_22 : vector<16xi1>, vector<16xi32>
      %swap3A = arith.index_cast %add3A_17 : i32 to index
      %swap3A_24 = arith.constant 0 : index
      %swap3A_25 = tpu.vector_load %arg9[%swap3A, %swap3A_24] {strides = array<i32>} : memref<125x80xi32, #tpu.memory_space<vmem>>, vector<16xi32>,
      tpu.vector_store %arg9[%swap3A, %swap3A_24], %select_n3A_23 {strides = array<i32>} : memref<125x80xi32, #tpu.memory_space<vmem>>, vector<16xi32>,
      tpu.vector_store_idx %arg10[%select_n3A], %broadcast_in_dim3A_5 {add = true} : memref<10240xf32, #tpu.memory_space<vmem>>[vector<16xi32>], vector<16xf32>,
      tpu.vector_store_idx %arg11[%select_n3A_23], %broadcast_in_dim3A_5 {add = true} : memref<10240xf32, #tpu.memory_space<vmem>>[vector<16xi32>], vector<16xf32>,
      %get3A_26 = arith.index_cast %add3A_17 : i32 to index
      %get3A_27 = arith.constant 16 : index
      %get3A_28 = tpu.vector_load %arg7[%get3A_26, %get3A_27] {strides = array<i32>} : memref<125x80xi32, #tpu.memory_space<vmem>>, vector<16xi32>,
      %get3A_29 = arith.index_cast %add3A_17 : i32 to index
      %get3A_30 = arith.constant 16 : index
      %get3A_31 = tpu.vector_load %arg8[%get3A_29, %get3A_30] {strides = array<i32>} : memref<125x80xi32, #tpu.memory_space<vmem>>, vector<16xi32>,
      %eq3A_32 = arith.cmpi eq, %get3A_28, %get3A_31 : vector<16xi32>
      %select_n3A_33 = arith.select %eq3A_32, %broadcast_in_dim3A_7, %get3A_28 : vector<16xi1>, vector<16xi32>
      %select_n3A_34 = arith.select %eq3A_32, %broadcast_in_dim3A_7, %get3A_31 : vector<16xi1>, vector<16xi32>
      %swap3A_35 = arith.index_cast %add3A_17 : i32 to index
      %swap3A_36 = arith.constant 16 : index
      %swap3A_37 = tpu.vector_load %arg9[%swap3A_35, %swap3A_36] {strides = array<i32>} : memref<125x80xi32, #tpu.memory_space<vmem>>, vector<16xi32>,
      tpu.vector_store %arg9[%swap3A_35, %swap3A_36], %select_n3A_34 {strides = array<i32>} : memref<125x80xi32, #tpu.memory_space<vmem>>, vector<16xi32>,
      tpu.vector_store_idx %arg10[%select_n3A_33], %broadcast_in_dim3A_5 {add = true} : memref<10240xf32, #tpu.memory_space<vmem>>[vector<16xi32>], vector<16xf32>,
      tpu.vector_store_idx %arg11[%select_n3A_34], %broadcast_in_dim3A_5 {add = true} : memref<10240xf32, #tpu.memory_space<vmem>>[vector<16xi32>], vector<16xf32>,
      %get3A_38 = arith.index_cast %add3A_17 : i32 to index
      %get3A_39 = arith.constant 32 : index
      %get3A_40 = tpu.vector_load %arg7[%get3A_38, %get3A_39] {strides = array<i32>} : memref<125x80xi32, #tpu.memory_space<vmem>>, vector<16xi32>,
      %get3A_41 = arith.index_cast %add3A_17 : i32 to index
      %get3A_42 = arith.constant 32 : index
      %get3A_43 = tpu.vector_load %arg8[%get3A_41, %get3A_42] {strides = array<i32>} : memref<125x80xi32, #tpu.memory_space<vmem>>, vector<16xi32>,
      %eq3A_44 = arith.cmpi eq, %get3A_40, %get3A_43 : vector<16xi32>
      %select_n3A_45 = arith.select %eq3A_44, %broadcast_in_dim3A_7, %get3A_40 : vector<16xi1>, vector<16xi32>
      %select_n3A_46 = arith.select %eq3A_44, %broadcast_in_dim3A_7, %get3A_43 : vector<16xi1>, vector<16xi32>
      %swap3A_47 = arith.index_cast %add3A_17 : i32 to index
      %swap3A_48 = arith.constant 32 : index
      %swap3A_49 = tpu.vector_load %arg9[%swap3A_47, %swap3A_48] {strides = array<i32>} : memref<125x80xi32, #tpu.memory_space<vmem>>, vector<16xi32>,
      tpu.vector_store %arg9[%swap3A_47, %swap3A_48], %select_n3A_46 {strides = array<i32>} : memref<125x80xi32, #tpu.memory_space<vmem>>, vector<16xi32>,
      tpu.vector_store_idx %arg10[%select_n3A_45], %broadcast_in_dim3A_5 {add = true} : memref<10240xf32, #tpu.memory_space<vmem>>[vector<16xi32>], vector<16xf32>,
      tpu.vector_store_idx %arg11[%select_n3A_46], %broadcast_in_dim3A_5 {add = true} : memref<10240xf32, #tpu.memory_space<vmem>>[vector<16xi32>], vector<16xf32>,
      %get3A_50 = arith.index_cast %add3A_17 : i32 to index
      %get3A_51 = arith.constant 48 : index
      %get3A_52 = tpu.vector_load %arg7[%get3A_50, %get3A_51] {strides = array<i32>} : memref<125x80xi32, #tpu.memory_space<vmem>>, vector<16xi32>,
      %get3A_53 = arith.index_cast %add3A_17 : i32 to index
      %get3A_54 = arith.constant 48 : index
      %get3A_55 = tpu.vector_load %arg8[%get3A_53, %get3A_54] {strides = array<i32>} : memref<125x80xi32, #tpu.memory_space<vmem>>, vector<16xi32>,
      %eq3A_56 = arith.cmpi eq, %get3A_52, %get3A_55 : vector<16xi32>
      %select_n3A_57 = arith.select %eq3A_56, %broadcast_in_dim3A_7, %get3A_52 : vector<16xi1>, vector<16xi32>
      %select_n3A_58 = arith.select %eq3A_56, %broadcast_in_dim3A_7, %get3A_55 : vector<16xi1>, vector<16xi32>
      %swap3A_59 = arith.index_cast %add3A_17 : i32 to index
      %swap3A_60 = arith.constant 48 : index
      %swap3A_61 = tpu.vector_load %arg9[%swap3A_59, %swap3A_60] {strides = array<i32>} : memref<125x80xi32, #tpu.memory_space<vmem>>, vector<16xi32>,
      tpu.vector_store %arg9[%swap3A_59, %swap3A_60], %select_n3A_58 {strides = array<i32>} : memref<125x80xi32, #tpu.memory_space<vmem>>, vector<16xi32>,
      tpu.vector_store_idx %arg10[%select_n3A_57], %broadcast_in_dim3A_5 {add = true} : memref<10240xf32, #tpu.memory_space<vmem>>[vector<16xi32>], vector<16xf32>,
      tpu.vector_store_idx %arg11[%select_n3A_58], %broadcast_in_dim3A_5 {add = true} : memref<10240xf32, #tpu.memory_space<vmem>>[vector<16xi32>], vector<16xf32>,
      %get3A_62 = arith.index_cast %add3A_17 : i32 to index
      %get3A_63 = arith.constant 64 : index
      %get3A_64 = tpu.vector_load %arg7[%get3A_62, %get3A_63] {strides = array<i32>} : memref<125x80xi32, #tpu.memory_space<vmem>>, vector<16xi32>,
      %get3A_65 = arith.index_cast %add3A_17 : i32 to index
      %get3A_66 = arith.constant 64 : index
      %get3A_67 = tpu.vector_load %arg8[%get3A_65, %get3A_66] {strides = array<i32>} : memref<125x80xi32, #tpu.memory_space<vmem>>, vector<16xi32>,
      %eq3A_68 = arith.cmpi eq, %get3A_64, %get3A_67 : vector<16xi32>
      %select_n3A_69 = arith.select %eq3A_68, %broadcast_in_dim3A_7, %get3A_64 : vector<16xi1>, vector<16xi32>
      %select_n3A_70 = arith.select %eq3A_68, %broadcast_in_dim3A_7, %get3A_67 : vector<16xi1>, vector<16xi32>
      %swap3A_71 = arith.index_cast %add3A_17 : i32 to index
      %swap3A_72 = arith.constant 64 : index
      %swap3A_73 = tpu.vector_load %arg9[%swap3A_71, %swap3A_72] {strides = array<i32>} : memref<125x80xi32, #tpu.memory_space<vmem>>, vector<16xi32>,
      tpu.vector_store %arg9[%swap3A_71, %swap3A_72], %select_n3A_70 {strides = array<i32>} : memref<125x80xi32, #tpu.memory_space<vmem>>, vector<16xi32>,
      tpu.vector_store_idx %arg10[%select_n3A_69], %broadcast_in_dim3A_5 {add = true} : memref<10240xf32, #tpu.memory_space<vmem>>[vector<16xi32>], vector<16xf32>,
      tpu.vector_store_idx %arg11[%select_n3A_70], %broadcast_in_dim3A_5 {add = true} : memref<10240xf32, #tpu.memory_space<vmem>>[vector<16xi32>], vector<16xf32>,
    }
    %scan3A_12 = arith.constant 125 : i32
    "tpu.region"() ({
      %run_scoped3A = tpu.sem_alloc : memref<!tpu.dma_semaphore, #tpu.memory_space<semaphore_mem>>
      %dma_start3A = arith.constant 0 : i32
      %dma_start3A_13 = arith.constant 0 : i32
      %dma_start3A_14 = tpu.memref_slice %arg4[%add3A, %dma_start3A, %dma_start3A_13] : memref<32x125x80xi32, #tpu.memory_space<hbm>> -> memref<1x125x80xi32, #tpu.memory_space<hbm>>
      %dma_start3A_15 = tpu.memref_squeeze %dma_start3A_14 : memref<1x125x80xi32, #tpu.memory_space<hbm>> -> memref<125x80xi32, #tpu.memory_space<hbm>>
      %dma_start3A_16 = arith.constant 0 : i32
      %dma_start3A_17 = arith.constant 0 : i32
      %dma_start3A_18 = tpu.memref_slice %arg4[%add3A, %dma_start3A_16, %dma_start3A_17] : memref<32x125x80xi32, #tpu.memory_space<hbm>> -> memref<1x125x80xi32, #tpu.memory_space<hbm>>
      %dma_start3A_19 = tpu.memref_squeeze %dma_start3A_18 : memref<1x125x80xi32, #tpu.memory_space<hbm>> -> memref<125x80xi32, #tpu.memory_space<hbm>>
      tpu.enqueue_dma source(%arg9 : memref<125x80xi32, #tpu.memory_space<vmem>>) target(%dma_start3A_19 : memref<125x80xi32, #tpu.memory_space<hbm>>) target_semaphore(%run_scoped3A : memref<!tpu.dma_semaphore, #tpu.memory_space<semaphore_mem>>)
      %dma_wait3A = arith.constant 0 : i32
      %dma_wait3A_20 = arith.constant 0 : i32
      %dma_wait3A_21 = tpu.memref_slice %arg4[%add3A, %dma_wait3A, %dma_wait3A_20] : memref<32x125x80xi32, #tpu.memory_space<hbm>> -> memref<1x125x80xi32, #tpu.memory_space<hbm>>
      %dma_wait3A_22 = tpu.memref_squeeze %dma_wait3A_21 : memref<1x125x80xi32, #tpu.memory_space<hbm>> -> memref<125x80xi32, #tpu.memory_space<hbm>>
      %dma_wait3A_23 = arith.constant 0 : i32
      %dma_wait3A_24 = arith.constant 0 : i32
      %dma_wait3A_25 = tpu.memref_slice %arg4[%add3A, %dma_wait3A_23, %dma_wait3A_24] : memref<32x125x80xi32, #tpu.memory_space<hbm>> -> memref<1x125x80xi32, #tpu.memory_space<hbm>>
      %dma_wait3A_26 = tpu.memref_squeeze %dma_wait3A_25 : memref<1x125x80xi32, #tpu.memory_space<hbm>> -> memref<125x80xi32, #tpu.memory_space<hbm>>
      tpu.wait_dma2 semaphore(%run_scoped3A : memref<!tpu.dma_semaphore, #tpu.memory_space<semaphore_mem>>) src(%arg9 : memref<125x80xi32, #tpu.memory_space<vmem>>) dst(%dma_wait3A_26 : memref<125x80xi32, #tpu.memory_space<hbm>>)
      tpu.yield
    }) : () -> ()
    "tpu.region"() ({
      %run_scoped3A = tpu.sem_alloc : memref<!tpu.dma_semaphore, #tpu.memory_space<semaphore_mem>>
      %dma_start3A = arith.constant 0 : i32
      %dma_start3A_13 = tpu.memref_slice %arg5[%add3A, %dma_start3A] : memref<32x10240xf32, #tpu.memory_space<hbm>> -> memref<1x10240xf32, #tpu.memory_space<hbm>>
      %dma_start3A_14 = tpu.memref_squeeze %dma_start3A_13 : memref<1x10240xf32, #tpu.memory_space<hbm>> -> memref<10240xf32, #tpu.memory_space<hbm>>
      %dma_start3A_15 = arith.constant 0 : i32
      %dma_start3A_16 = tpu.memref_slice %arg5[%add3A, %dma_start3A_15] : memref<32x10240xf32, #tpu.memory_space<hbm>> -> memref<1x10240xf32, #tpu.memory_space<hbm>>
      %dma_start3A_17 = tpu.memref_squeeze %dma_start3A_16 : memref<1x10240xf32, #tpu.memory_space<hbm>> -> memref<10240xf32, #tpu.memory_space<hbm>>
      tpu.enqueue_dma source(%arg10 : memref<10240xf32, #tpu.memory_space<vmem>>) target(%dma_start3A_17 : memref<10240xf32, #tpu.memory_space<hbm>>) target_semaphore(%run_scoped3A : memref<!tpu.dma_semaphore, #tpu.memory_space<semaphore_mem>>)
      %dma_wait3A = arith.constant 0 : i32
      %dma_wait3A_18 = tpu.memref_slice %arg5[%add3A, %dma_wait3A] : memref<32x10240xf32, #tpu.memory_space<hbm>> -> memref<1x10240xf32, #tpu.memory_space<hbm>>
      %dma_wait3A_19 = tpu.memref_squeeze %dma_wait3A_18 : memref<1x10240xf32, #tpu.memory_space<hbm>> -> memref<10240xf32, #tpu.memory_space<hbm>>
      %dma_wait3A_20 = arith.constant 0 : i32
      %dma_wait3A_21 = tpu.memref_slice %arg5[%add3A, %dma_wait3A_20] : memref<32x10240xf32, #tpu.memory_space<hbm>> -> memref<1x10240xf32, #tpu.memory_space<hbm>>
      %dma_wait3A_22 = tpu.memref_squeeze %dma_wait3A_21 : memref<1x10240xf32, #tpu.memory_space<hbm>> -> memref<10240xf32, #tpu.memory_space<hbm>>
      tpu.wait_dma2 semaphore(%run_scoped3A : memref<!tpu.dma_semaphore, #tpu.memory_space<semaphore_mem>>) src(%arg10 : memref<10240xf32, #tpu.memory_space<vmem>>) dst(%dma_wait3A_22 : memref<10240xf32, #tpu.memory_space<hbm>>)
      tpu.yield
    }) : () -> ()
    "tpu.region"() ({
      %run_scoped3A = tpu.sem_alloc : memref<!tpu.dma_semaphore, #tpu.memory_space<semaphore_mem>>
      %dma_start3A = arith.constant 0 : i32
      %dma_start3A_13 = tpu.memref_slice %arg6[%add3A, %dma_start3A] : memref<32x10240xf32, #tpu.memory_space<hbm>> -> memref<1x10240xf32, #tpu.memory_space<hbm>>
      %dma_start3A_14 = tpu.memref_squeeze %dma_start3A_13 : memref<1x10240xf32, #tpu.memory_space<hbm>> -> memref<10240xf32, #tpu.memory_space<hbm>>
      %dma_start3A_15 = arith.constant 0 : i32
      %dma_start3A_16 = tpu.memref_slice %arg6[%add3A, %dma_start3A_15] : memref<32x10240xf32, #tpu.memory_space<hbm>> -> memref<1x10240xf32, #tpu.memory_space<hbm>>
      %dma_start3A_17 = tpu.memref_squeeze %dma_start3A_16 : memref<1x10240xf32, #tpu.memory_space<hbm>> -> memref<10240xf32, #tpu.memory_space<hbm>>
      tpu.enqueue_dma source(%arg11 : memref<10240xf32, #tpu.memory_space<vmem>>) target(%dma_start3A_17 : memref<10240xf32, #tpu.memory_space<hbm>>) target_semaphore(%run_scoped3A : memref<!tpu.dma_semaphore, #tpu.memory_space<semaphore_mem>>)
      %dma_wait3A = arith.constant 0 : i32
      %dma_wait3A_18 = tpu.memref_slice %arg6[%add3A, %dma_wait3A] : memref<32x10240xf32, #tpu.memory_space<hbm>> -> memref<1x10240xf32, #tpu.memory_space<hbm>>
      %dma_wait3A_19 = tpu.memref_squeeze %dma_wait3A_18 : memref<1x10240xf32, #tpu.memory_space<hbm>> -> memref<10240xf32, #tpu.memory_space<hbm>>
      %dma_wait3A_20 = arith.constant 0 : i32
      %dma_wait3A_21 = tpu.memref_slice %arg6[%add3A, %dma_wait3A_20] : memref<32x10240xf32, #tpu.memory_space<hbm>> -> memref<1x10240xf32, #tpu.memory_space<hbm>>
      %dma_wait3A_22 = tpu.memref_squeeze %dma_wait3A_21 : memref<1x10240xf32, #tpu.memory_space<hbm>> -> memref<10240xf32, #tpu.memory_space<hbm>>
      tpu.wait_dma2 semaphore(%run_scoped3A : memref<!tpu.dma_semaphore, #tpu.memory_space<semaphore_mem>>) src(%arg11 : memref<10240xf32, #tpu.memory_space<vmem>>) dst(%dma_wait3A_22 : memref<10240xf32, #tpu.memory_space<hbm>>)
      tpu.yield
    }) : () -> ()
    return
  }
}

#map = affine_map<(d0, d1) -> (0, 0)>
#map1 = affine_map<(d0, d1) -> (0, 0, 0)>
module attributes {stable_mosaic.version = 14 : i64} {
  func.func @_sc_scatter_body(%arg0: i32, %arg1: i32, %arg2: memref<10240x128xf32, #tpu.memory_space<hbm>>, %arg3: memref<32x80x125xi32, #tpu.memory_space<hbm>>, %arg4: memref<32x80x125xi32, #tpu.memory_space<hbm>>, %arg5: memref<2x10240x128xf32, #tpu.memory_space<hbm>>, %arg6: memref<80x125xi32, #tpu.memory_space<vmem>>, %arg7: memref<80x125xi32, #tpu.memory_space<vmem>>, %arg8: memref<125x128xf32, #tpu.memory_space<vmem>>, %arg9: memref<10240x128xf32, #tpu.memory_space<vmem_shared>>) attributes {dimension_semantics = [#tpu.dimension_semantics<core_parallel>, #tpu.dimension_semantics<subcore_parallel>], iteration_bounds = array<i64: 2, 16>, scalar_prefetch = 0 : i64, scratch_operands = 4 : i64, tpu.core_type = #tpu.core_type<sc_vector_subcore>, window_params = [{transform_indices = #map}, {transform_indices = #map1}, {transform_indices = #map1}, {transform_indices = #map1}]} {
    %mul3A = arith.constant 16 : i32
    %mul3A_0 = arith.muli %arg0, %mul3A : i32
    %add3A = arith.addi %mul3A_0, %arg1 : i32
    %mul3A_1 = arith.constant 640 : i32
    %mul3A_2 = arith.muli %arg1, %mul3A_1 : i32
    %scan3A = arith.constant 0 : i32
    %scan3A_3 = arith.constant 64 : i32
    %scan3A_4 = arith.addi %scan3A, %scan3A_3 : i32
    %scan3A_5 = arith.constant 1 : i32
    scf.for %scan3A_18 = %scan3A to %scan3A_4 step %scan3A_5  : i32 {
      %mul3A_19 = arith.constant 1 : i32
      %mul3A_20 = arith.muli %scan3A_18, %mul3A_19 : i32
      %add3A_21 = arith.constant 0 : i32
      %add3A_22 = arith.addi %add3A_21, %mul3A_20 : i32
      %broadcast_in_dim3A = arith.constant 0.000000e+00 : f32
      %broadcast_in_dim3A_23 = vector.broadcast %broadcast_in_dim3A : f32 to vector<16xf32>
      %swap3A = arith.index_cast %add3A_22 : i32 to index
      %swap3A_24 = arith.constant 0 : index
      %swap3A_25 = tpu.vector_load %arg8[%swap3A, %swap3A_24] {strides = array<i32>} : memref<125x128xf32, #tpu.memory_space<vmem>>, vector<1x16xf32>,
      %swap3A_26 = vector.shape_cast %swap3A_25 : vector<1x16xf32> to vector<16xf32>
      %swap3A_27 = vector.shape_cast %broadcast_in_dim3A_23 : vector<16xf32> to vector<1x16xf32>
      tpu.vector_store %arg8[%swap3A, %swap3A_24], %swap3A_27 {strides = array<i32>} : memref<125x128xf32, #tpu.memory_space<vmem>>, vector<1x16xf32>,
      %broadcast_in_dim3A_28 = arith.constant 0.000000e+00 : f32
      %broadcast_in_dim3A_29 = vector.broadcast %broadcast_in_dim3A_28 : f32 to vector<16xf32>
      %swap3A_30 = arith.index_cast %add3A_22 : i32 to index
      %swap3A_31 = arith.constant 16 : index
      %swap3A_32 = tpu.vector_load %arg8[%swap3A_30, %swap3A_31] {strides = array<i32>} : memref<125x128xf32, #tpu.memory_space<vmem>>, vector<1x16xf32>,
      %swap3A_33 = vector.shape_cast %swap3A_32 : vector<1x16xf32> to vector<16xf32>
      %swap3A_34 = vector.shape_cast %broadcast_in_dim3A_29 : vector<16xf32> to vector<1x16xf32>
      tpu.vector_store %arg8[%swap3A_30, %swap3A_31], %swap3A_34 {strides = array<i32>} : memref<125x128xf32, #tpu.memory_space<vmem>>, vector<1x16xf32>,
      %broadcast_in_dim3A_35 = arith.constant 0.000000e+00 : f32
      %broadcast_in_dim3A_36 = vector.broadcast %broadcast_in_dim3A_35 : f32 to vector<16xf32>
      %swap3A_37 = arith.index_cast %add3A_22 : i32 to index
      %swap3A_38 = arith.constant 32 : index
      %swap3A_39 = tpu.vector_load %arg8[%swap3A_37, %swap3A_38] {strides = array<i32>} : memref<125x128xf32, #tpu.memory_space<vmem>>, vector<1x16xf32>,
      %swap3A_40 = vector.shape_cast %swap3A_39 : vector<1x16xf32> to vector<16xf32>
      %swap3A_41 = vector.shape_cast %broadcast_in_dim3A_36 : vector<16xf32> to vector<1x16xf32>
      tpu.vector_store %arg8[%swap3A_37, %swap3A_38], %swap3A_41 {strides = array<i32>} : memref<125x128xf32, #tpu.memory_space<vmem>>, vector<1x16xf32>,
      %broadcast_in_dim3A_42 = arith.constant 0.000000e+00 : f32
      %broadcast_in_dim3A_43 = vector.broadcast %broadcast_in_dim3A_42 : f32 to vector<16xf32>
      %swap3A_44 = arith.index_cast %add3A_22 : i32 to index
      %swap3A_45 = arith.constant 48 : index
      %swap3A_46 = tpu.vector_load %arg8[%swap3A_44, %swap3A_45] {strides = array<i32>} : memref<125x128xf32, #tpu.memory_space<vmem>>, vector<1x16xf32>,
      %swap3A_47 = vector.shape_cast %swap3A_46 : vector<1x16xf32> to vector<16xf32>
      %swap3A_48 = vector.shape_cast %broadcast_in_dim3A_43 : vector<16xf32> to vector<1x16xf32>
      tpu.vector_store %arg8[%swap3A_44, %swap3A_45], %swap3A_48 {strides = array<i32>} : memref<125x128xf32, #tpu.memory_space<vmem>>, vector<1x16xf32>,
      %broadcast_in_dim3A_49 = arith.constant 0.000000e+00 : f32
      %broadcast_in_dim3A_50 = vector.broadcast %broadcast_in_dim3A_49 : f32 to vector<16xf32>
      %swap3A_51 = arith.index_cast %add3A_22 : i32 to index
      %swap3A_52 = arith.constant 64 : index
      %swap3A_53 = tpu.vector_load %arg8[%swap3A_51, %swap3A_52] {strides = array<i32>} : memref<125x128xf32, #tpu.memory_space<vmem>>, vector<1x16xf32>,
      %swap3A_54 = vector.shape_cast %swap3A_53 : vector<1x16xf32> to vector<16xf32>
      %swap3A_55 = vector.shape_cast %broadcast_in_dim3A_50 : vector<16xf32> to vector<1x16xf32>
      tpu.vector_store %arg8[%swap3A_51, %swap3A_52], %swap3A_55 {strides = array<i32>} : memref<125x128xf32, #tpu.memory_space<vmem>>, vector<1x16xf32>,
      %broadcast_in_dim3A_56 = arith.constant 0.000000e+00 : f32
      %broadcast_in_dim3A_57 = vector.broadcast %broadcast_in_dim3A_56 : f32 to vector<16xf32>
      %swap3A_58 = arith.index_cast %add3A_22 : i32 to index
      %swap3A_59 = arith.constant 80 : index
      %swap3A_60 = tpu.vector_load %arg8[%swap3A_58, %swap3A_59] {strides = array<i32>} : memref<125x128xf32, #tpu.memory_space<vmem>>, vector<1x16xf32>,
      %swap3A_61 = vector.shape_cast %swap3A_60 : vector<1x16xf32> to vector<16xf32>
      %swap3A_62 = vector.shape_cast %broadcast_in_dim3A_57 : vector<16xf32> to vector<1x16xf32>
      tpu.vector_store %arg8[%swap3A_58, %swap3A_59], %swap3A_62 {strides = array<i32>} : memref<125x128xf32, #tpu.memory_space<vmem>>, vector<1x16xf32>,
      %broadcast_in_dim3A_63 = arith.constant 0.000000e+00 : f32
      %broadcast_in_dim3A_64 = vector.broadcast %broadcast_in_dim3A_63 : f32 to vector<16xf32>
      %swap3A_65 = arith.index_cast %add3A_22 : i32 to index
      %swap3A_66 = arith.constant 96 : index
      %swap3A_67 = tpu.vector_load %arg8[%swap3A_65, %swap3A_66] {strides = array<i32>} : memref<125x128xf32, #tpu.memory_space<vmem>>, vector<1x16xf32>,
      %swap3A_68 = vector.shape_cast %swap3A_67 : vector<1x16xf32> to vector<16xf32>
      %swap3A_69 = vector.shape_cast %broadcast_in_dim3A_64 : vector<16xf32> to vector<1x16xf32>
      tpu.vector_store %arg8[%swap3A_65, %swap3A_66], %swap3A_69 {strides = array<i32>} : memref<125x128xf32, #tpu.memory_space<vmem>>, vector<1x16xf32>,
      %broadcast_in_dim3A_70 = arith.constant 0.000000e+00 : f32
      %broadcast_in_dim3A_71 = vector.broadcast %broadcast_in_dim3A_70 : f32 to vector<16xf32>
      %swap3A_72 = arith.index_cast %add3A_22 : i32 to index
      %swap3A_73 = arith.constant 112 : index
      %swap3A_74 = tpu.vector_load %arg8[%swap3A_72, %swap3A_73] {strides = array<i32>} : memref<125x128xf32, #tpu.memory_space<vmem>>, vector<1x16xf32>,
      %swap3A_75 = vector.shape_cast %swap3A_74 : vector<1x16xf32> to vector<16xf32>
      %swap3A_76 = vector.shape_cast %broadcast_in_dim3A_71 : vector<16xf32> to vector<1x16xf32>
      tpu.vector_store %arg8[%swap3A_72, %swap3A_73], %swap3A_76 {strides = array<i32>} : memref<125x128xf32, #tpu.memory_space<vmem>>, vector<1x16xf32>,
    }
    %scan3A_6 = arith.constant 64 : i32
    %scan3A_7 = arith.constant 0 : i32
    %scan3A_8 = arith.constant 10 : i32
    %scan3A_9 = arith.addi %scan3A_7, %scan3A_8 : i32
    %scan3A_10 = arith.constant 1 : i32
    scf.for %scan3A_18 = %scan3A_7 to %scan3A_9 step %scan3A_10  : i32 {
      %mul3A_19 = arith.constant 1 : i32
      %mul3A_20 = arith.muli %scan3A_18, %mul3A_19 : i32
      %add3A_21 = arith.constant 0 : i32
      %add3A_22 = arith.addi %add3A_21, %mul3A_20 : i32
      %mul3A_23 = arith.constant 64 : i32
      %mul3A_24 = arith.muli %add3A_22, %mul3A_23 : i32
      %add3A_25 = arith.addi %mul3A_2, %mul3A_24 : i32
      "tpu.region"() ({
        %run_scoped3A = tpu.sem_alloc : memref<!tpu.dma_semaphore, #tpu.memory_space<semaphore_mem>>
        %dma_start3A = arith.constant 0 : i32
        %dma_start3A_26 = arith.constant 0 : i32
        %dma_start3A_27 = tpu.memref_slice %arg8[%dma_start3A, %dma_start3A_26] : memref<125x128xf32, #tpu.memory_space<vmem>> -> memref<64x128xf32, #tpu.memory_space<vmem>>
        %dma_start3A_28 = arith.constant 0 : i32
        %dma_start3A_29 = tpu.memref_slice %arg9[%add3A_25, %dma_start3A_28] : memref<10240x128xf32, #tpu.memory_space<vmem_shared>> -> memref<64x128xf32, #tpu.memory_space<vmem_shared>>
        %dma_start3A_30 = arith.constant 0 : i32
        %dma_start3A_31 = tpu.memref_slice %arg9[%add3A_25, %dma_start3A_30] : memref<10240x128xf32, #tpu.memory_space<vmem_shared>> -> memref<64x128xf32, #tpu.memory_space<vmem_shared>>
        %dma_start3A_32 = arith.constant 0 : i32
        %dma_start3A_33 = arith.constant 0 : i32
        %dma_start3A_34 = tpu.memref_slice %arg8[%dma_start3A_32, %dma_start3A_33] : memref<125x128xf32, #tpu.memory_space<vmem>> -> memref<64x128xf32, #tpu.memory_space<vmem>>
        tpu.enqueue_dma source(%dma_start3A_34 : memref<64x128xf32, #tpu.memory_space<vmem>>) target(%dma_start3A_31 : memref<64x128xf32, #tpu.memory_space<vmem_shared>>) target_semaphore(%run_scoped3A : memref<!tpu.dma_semaphore, #tpu.memory_space<semaphore_mem>>)
        %dma_wait3A = arith.constant 0 : i32
        %dma_wait3A_35 = arith.constant 0 : i32
        %dma_wait3A_36 = tpu.memref_slice %arg8[%dma_wait3A, %dma_wait3A_35] : memref<125x128xf32, #tpu.memory_space<vmem>> -> memref<64x128xf32, #tpu.memory_space<vmem>>
        %dma_wait3A_37 = arith.constant 0 : i32
        %dma_wait3A_38 = tpu.memref_slice %arg9[%add3A_25, %dma_wait3A_37] : memref<10240x128xf32, #tpu.memory_space<vmem_shared>> -> memref<64x128xf32, #tpu.memory_space<vmem_shared>>
        %dma_wait3A_39 = arith.constant 0 : i32
        %dma_wait3A_40 = tpu.memref_slice %arg9[%add3A_25, %dma_wait3A_39] : memref<10240x128xf32, #tpu.memory_space<vmem_shared>> -> memref<64x128xf32, #tpu.memory_space<vmem_shared>>
        %dma_wait3A_41 = arith.constant 0 : i32
        %dma_wait3A_42 = arith.constant 0 : i32
        %dma_wait3A_43 = tpu.memref_slice %arg8[%dma_wait3A_41, %dma_wait3A_42] : memref<125x128xf32, #tpu.memory_space<vmem>> -> memref<64x128xf32, #tpu.memory_space<vmem>>
        tpu.wait_dma2 semaphore(%run_scoped3A : memref<!tpu.dma_semaphore, #tpu.memory_space<semaphore_mem>>) src(%dma_wait3A_43 : memref<64x128xf32, #tpu.memory_space<vmem>>) dst(%dma_wait3A_40 : memref<64x128xf32, #tpu.memory_space<vmem_shared>>)
        tpu.yield
      }) : () -> ()
    }
    %scan3A_11 = arith.constant 10 : i32
    %barrier3A = arith.constant 0 : index
    tpu.barrier barrier_id(%barrier3A)
    "tpu.region"() ({
      %run_scoped3A = tpu.sem_alloc : memref<!tpu.dma_semaphore, #tpu.memory_space<semaphore_mem>>
      %dma_start3A = arith.constant 0 : i32
      %dma_start3A_18 = arith.constant 0 : i32
      %dma_start3A_19 = tpu.memref_slice %arg3[%add3A, %dma_start3A, %dma_start3A_18] : memref<32x80x125xi32, #tpu.memory_space<hbm>> -> memref<1x80x125xi32, #tpu.memory_space<hbm>>
      %dma_start3A_20 = tpu.memref_squeeze %dma_start3A_19 : memref<1x80x125xi32, #tpu.memory_space<hbm>> -> memref<80x125xi32, #tpu.memory_space<hbm>>
      %dma_start3A_21 = arith.constant 0 : i32
      %dma_start3A_22 = arith.constant 0 : i32
      %dma_start3A_23 = tpu.memref_slice %arg3[%add3A, %dma_start3A_21, %dma_start3A_22] : memref<32x80x125xi32, #tpu.memory_space<hbm>> -> memref<1x80x125xi32, #tpu.memory_space<hbm>>
      %dma_start3A_24 = tpu.memref_squeeze %dma_start3A_23 : memref<1x80x125xi32, #tpu.memory_space<hbm>> -> memref<80x125xi32, #tpu.memory_space<hbm>>
      tpu.enqueue_dma source(%dma_start3A_24 : memref<80x125xi32, #tpu.memory_space<hbm>>) target(%arg6 : memref<80x125xi32, #tpu.memory_space<vmem>>) target_semaphore(%run_scoped3A : memref<!tpu.dma_semaphore, #tpu.memory_space<semaphore_mem>>)
      %dma_wait3A = arith.constant 0 : i32
      %dma_wait3A_25 = arith.constant 0 : i32
      %dma_wait3A_26 = tpu.memref_slice %arg3[%add3A, %dma_wait3A, %dma_wait3A_25] : memref<32x80x125xi32, #tpu.memory_space<hbm>> -> memref<1x80x125xi32, #tpu.memory_space<hbm>>
      %dma_wait3A_27 = tpu.memref_squeeze %dma_wait3A_26 : memref<1x80x125xi32, #tpu.memory_space<hbm>> -> memref<80x125xi32, #tpu.memory_space<hbm>>
      %dma_wait3A_28 = arith.constant 0 : i32
      %dma_wait3A_29 = arith.constant 0 : i32
      %dma_wait3A_30 = tpu.memref_slice %arg3[%add3A, %dma_wait3A_28, %dma_wait3A_29] : memref<32x80x125xi32, #tpu.memory_space<hbm>> -> memref<1x80x125xi32, #tpu.memory_space<hbm>>
      %dma_wait3A_31 = tpu.memref_squeeze %dma_wait3A_30 : memref<1x80x125xi32, #tpu.memory_space<hbm>> -> memref<80x125xi32, #tpu.memory_space<hbm>>
      tpu.wait_dma2 semaphore(%run_scoped3A : memref<!tpu.dma_semaphore, #tpu.memory_space<semaphore_mem>>) src(%dma_wait3A_31 : memref<80x125xi32, #tpu.memory_space<hbm>>) dst(%arg6 : memref<80x125xi32, #tpu.memory_space<vmem>>)
      tpu.yield
    }) : () -> ()
    "tpu.region"() ({
      %run_scoped3A = tpu.sem_alloc : memref<!tpu.dma_semaphore, #tpu.memory_space<semaphore_mem>>
      %dma_start3A = arith.constant 0 : i32
      %dma_start3A_18 = arith.constant 0 : i32
      %dma_start3A_19 = tpu.memref_slice %arg4[%add3A, %dma_start3A, %dma_start3A_18] : memref<32x80x125xi32, #tpu.memory_space<hbm>> -> memref<1x80x125xi32, #tpu.memory_space<hbm>>
      %dma_start3A_20 = tpu.memref_squeeze %dma_start3A_19 : memref<1x80x125xi32, #tpu.memory_space<hbm>> -> memref<80x125xi32, #tpu.memory_space<hbm>>
      %dma_start3A_21 = arith.constant 0 : i32
      %dma_start3A_22 = arith.constant 0 : i32
      %dma_start3A_23 = tpu.memref_slice %arg4[%add3A, %dma_start3A_21, %dma_start3A_22] : memref<32x80x125xi32, #tpu.memory_space<hbm>> -> memref<1x80x125xi32, #tpu.memory_space<hbm>>
      %dma_start3A_24 = tpu.memref_squeeze %dma_start3A_23 : memref<1x80x125xi32, #tpu.memory_space<hbm>> -> memref<80x125xi32, #tpu.memory_space<hbm>>
      tpu.enqueue_dma source(%dma_start3A_24 : memref<80x125xi32, #tpu.memory_space<hbm>>) target(%arg7 : memref<80x125xi32, #tpu.memory_space<vmem>>) target_semaphore(%run_scoped3A : memref<!tpu.dma_semaphore, #tpu.memory_space<semaphore_mem>>)
      %dma_wait3A = arith.constant 0 : i32
      %dma_wait3A_25 = arith.constant 0 : i32
      %dma_wait3A_26 = tpu.memref_slice %arg4[%add3A, %dma_wait3A, %dma_wait3A_25] : memref<32x80x125xi32, #tpu.memory_space<hbm>> -> memref<1x80x125xi32, #tpu.memory_space<hbm>>
      %dma_wait3A_27 = tpu.memref_squeeze %dma_wait3A_26 : memref<1x80x125xi32, #tpu.memory_space<hbm>> -> memref<80x125xi32, #tpu.memory_space<hbm>>
      %dma_wait3A_28 = arith.constant 0 : i32
      %dma_wait3A_29 = arith.constant 0 : i32
      %dma_wait3A_30 = tpu.memref_slice %arg4[%add3A, %dma_wait3A_28, %dma_wait3A_29] : memref<32x80x125xi32, #tpu.memory_space<hbm>> -> memref<1x80x125xi32, #tpu.memory_space<hbm>>
      %dma_wait3A_31 = tpu.memref_squeeze %dma_wait3A_30 : memref<1x80x125xi32, #tpu.memory_space<hbm>> -> memref<80x125xi32, #tpu.memory_space<hbm>>
      tpu.wait_dma2 semaphore(%run_scoped3A : memref<!tpu.dma_semaphore, #tpu.memory_space<semaphore_mem>>) src(%dma_wait3A_31 : memref<80x125xi32, #tpu.memory_space<hbm>>) dst(%arg7 : memref<80x125xi32, #tpu.memory_space<vmem>>)
      tpu.yield
    }) : () -> ()
    %scan3A_12 = arith.constant 0 : i32
    %scan3A_13 = arith.constant 80 : i32
    %scan3A_14 = arith.addi %scan3A_12, %scan3A_13 : i32
    %scan3A_15 = arith.constant 1 : i32
    scf.for %scan3A_18 = %scan3A_12 to %scan3A_14 step %scan3A_15  : i32 {
      %mul3A_19 = arith.constant 1 : i32
      %mul3A_20 = arith.muli %scan3A_18, %mul3A_19 : i32
      %add3A_21 = arith.constant 0 : i32
      %add3A_22 = arith.addi %add3A_21, %mul3A_20 : i32
      "tpu.region"() ({
        %run_scoped3A = tpu.sem_alloc : memref<!tpu.dma_semaphore, #tpu.memory_space<semaphore_mem>>
        %dma_start3A = arith.constant 0 : i32
        %dma_start3A_23 = tpu.memref_slice %arg6[%add3A_22, %dma_start3A] : memref<80x125xi32, #tpu.memory_space<vmem>> -> memref<1x125xi32, #tpu.memory_space<vmem>>
        %dma_start3A_24 = tpu.memref_squeeze %dma_start3A_23 : memref<1x125xi32, #tpu.memory_space<vmem>> -> memref<125xi32, #tpu.memory_space<vmem>>
        %dma_start3A_25 = arith.constant 0 : i32
        %dma_start3A_26 = arith.constant 0 : i32
        %dma_start3A_27 = tpu.memref_slice %arg2[%dma_start3A_25, %dma_start3A_26] : memref<10240x128xf32, #tpu.memory_space<hbm>> -> memref<10240x128xf32, #tpu.memory_space<hbm>>
        tpu.enqueue_indirect_dma source(%dma_start3A_27 : memref<10240x128xf32, #tpu.memory_space<hbm>>) target(%arg8 : memref<125x128xf32, #tpu.memory_space<vmem>>) offsets(%dma_start3A_24 : memref<125xi32, #tpu.memory_space<vmem>>) semaphore(%run_scoped3A : memref<!tpu.dma_semaphore, #tpu.memory_space<semaphore_mem>>)
        %dma_wait3A = arith.constant 0 : i32
        %dma_wait3A_28 = tpu.memref_slice %arg6[%add3A_22, %dma_wait3A] : memref<80x125xi32, #tpu.memory_space<vmem>> -> memref<1x125xi32, #tpu.memory_space<vmem>>
        %dma_wait3A_29 = tpu.memref_squeeze %dma_wait3A_28 : memref<1x125xi32, #tpu.memory_space<vmem>> -> memref<125xi32, #tpu.memory_space<vmem>>
        %dma_wait3A_30 = arith.constant 0 : i32
        %dma_wait3A_31 = arith.constant 0 : i32
        %dma_wait3A_32 = tpu.memref_slice %arg2[%dma_wait3A_30, %dma_wait3A_31] : memref<10240x128xf32, #tpu.memory_space<hbm>> -> memref<10240x128xf32, #tpu.memory_space<hbm>>
        tpu.wait_indirect_dma semaphore(%run_scoped3A : memref<!tpu.dma_semaphore, #tpu.memory_space<semaphore_mem>>) src(%dma_wait3A_32 : memref<10240x128xf32, #tpu.memory_space<hbm>>) dst(%arg8 : memref<125x128xf32, #tpu.memory_space<vmem>>)
        tpu.yield
      }) : () -> ()
      "tpu.region"() ({
        %run_scoped3A = tpu.sem_alloc : memref<!tpu.dma_semaphore, #tpu.memory_space<semaphore_mem>>
        %dma_start3A = arith.constant 0 : i32
        %dma_start3A_23 = tpu.memref_slice %arg7[%add3A_22, %dma_start3A] : memref<80x125xi32, #tpu.memory_space<vmem>> -> memref<1x125xi32, #tpu.memory_space<vmem>>
        %dma_start3A_24 = tpu.memref_squeeze %dma_start3A_23 : memref<1x125xi32, #tpu.memory_space<vmem>> -> memref<125xi32, #tpu.memory_space<vmem>>
        %dma_start3A_25 = arith.constant 0 : i32
        %dma_start3A_26 = arith.constant 0 : i32
        %dma_start3A_27 = tpu.memref_slice %arg9[%dma_start3A_25, %dma_start3A_26] : memref<10240x128xf32, #tpu.memory_space<vmem_shared>> -> memref<10240x128xf32, #tpu.memory_space<vmem_shared>>
        tpu.enqueue_indirect_dma source(%arg8 : memref<125x128xf32, #tpu.memory_space<vmem>>) target(%dma_start3A_27 : memref<10240x128xf32, #tpu.memory_space<vmem_shared>>) offsets(%dma_start3A_24 : memref<125xi32, #tpu.memory_space<vmem>>) semaphore(%run_scoped3A : memref<!tpu.dma_semaphore, #tpu.memory_space<semaphore_mem>>) {add = true}
        %dma_wait3A = arith.constant 0 : i32
        %dma_wait3A_28 = tpu.memref_slice %arg7[%add3A_22, %dma_wait3A] : memref<80x125xi32, #tpu.memory_space<vmem>> -> memref<1x125xi32, #tpu.memory_space<vmem>>
        %dma_wait3A_29 = tpu.memref_squeeze %dma_wait3A_28 : memref<1x125xi32, #tpu.memory_space<vmem>> -> memref<125xi32, #tpu.memory_space<vmem>>
        %dma_wait3A_30 = arith.constant 0 : i32
        %dma_wait3A_31 = arith.constant 0 : i32
        %dma_wait3A_32 = tpu.memref_slice %arg9[%dma_wait3A_30, %dma_wait3A_31] : memref<10240x128xf32, #tpu.memory_space<vmem_shared>> -> memref<10240x128xf32, #tpu.memory_space<vmem_shared>>
        tpu.wait_indirect_dma semaphore(%run_scoped3A : memref<!tpu.dma_semaphore, #tpu.memory_space<semaphore_mem>>) src(%arg8 : memref<125x128xf32, #tpu.memory_space<vmem>>) dst(%dma_wait3A_32 : memref<10240x128xf32, #tpu.memory_space<vmem_shared>>)
        tpu.yield
      }) : () -> ()
    }
    %scan3A_16 = arith.constant 80 : i32
    %barrier3A_17 = arith.constant 0 : index
    tpu.barrier barrier_id(%barrier3A_17)
    "tpu.region"() ({
      %run_scoped3A = tpu.sem_alloc : memref<!tpu.dma_semaphore, #tpu.memory_space<semaphore_mem>>
      %dma_start3A = arith.constant 0 : i32
      %dma_start3A_18 = tpu.memref_slice %arg5[%arg0, %mul3A_2, %dma_start3A] : memref<2x10240x128xf32, #tpu.memory_space<hbm>> -> memref<1x640x128xf32, #tpu.memory_space<hbm>>
      %dma_start3A_19 = tpu.memref_squeeze %dma_start3A_18 : memref<1x640x128xf32, #tpu.memory_space<hbm>> -> memref<640x128xf32, #tpu.memory_space<hbm>>
      %dma_start3A_20 = arith.constant 0 : i32
      %dma_start3A_21 = tpu.memref_slice %arg9[%mul3A_2, %dma_start3A_20] : memref<10240x128xf32, #tpu.memory_space<vmem_shared>> -> memref<640x128xf32, #tpu.memory_space<vmem_shared>>
      tpu.enqueue_dma source(%dma_start3A_21 : memref<640x128xf32, #tpu.memory_space<vmem_shared>>) target(%dma_start3A_19 : memref<640x128xf32, #tpu.memory_space<hbm>>) target_semaphore(%run_scoped3A : memref<!tpu.dma_semaphore, #tpu.memory_space<semaphore_mem>>)
      %dma_wait3A = arith.constant 0 : i32
      %dma_wait3A_22 = tpu.memref_slice %arg5[%arg0, %mul3A_2, %dma_wait3A] : memref<2x10240x128xf32, #tpu.memory_space<hbm>> -> memref<1x640x128xf32, #tpu.memory_space<hbm>>
      %dma_wait3A_23 = tpu.memref_squeeze %dma_wait3A_22 : memref<1x640x128xf32, #tpu.memory_space<hbm>> -> memref<640x128xf32, #tpu.memory_space<hbm>>
      %dma_wait3A_24 = arith.constant 0 : i32
      %dma_wait3A_25 = tpu.memref_slice %arg9[%mul3A_2, %dma_wait3A_24] : memref<10240x128xf32, #tpu.memory_space<vmem_shared>> -> memref<640x128xf32, #tpu.memory_space<vmem_shared>>
      tpu.wait_dma2 semaphore(%run_scoped3A : memref<!tpu.dma_semaphore, #tpu.memory_space<semaphore_mem>>) src(%dma_wait3A_25 : memref<640x128xf32, #tpu.memory_space<vmem_shared>>) dst(%dma_wait3A_23 : memref<640x128xf32, #tpu.memory_space<hbm>>)
      tpu.yield
    }) : () -> ()
    return
  }
}

#map = affine_map<(d0, d1) -> (0, 0)>
#map1 = affine_map<(d0, d1) -> (0, 0, 0)>
module attributes {stable_mosaic.version = 14 : i64} {
  func.func @_sc_scatter_body(%arg0: i32, %arg1: i32, %arg2: memref<10240x128xf32, #tpu.memory_space<hbm>>, %arg3: memref<32x80x125xi32, #tpu.memory_space<hbm>>, %arg4: memref<32x80x125xi32, #tpu.memory_space<hbm>>, %arg5: memref<2x10240x128xf32, #tpu.memory_space<hbm>>, %arg6: memref<80x125xi32, #tpu.memory_space<vmem>>, %arg7: memref<80x125xi32, #tpu.memory_space<vmem>>, %arg8: memref<125x128xf32, #tpu.memory_space<vmem>>, %arg9: memref<10240x128xf32, #tpu.memory_space<vmem_shared>>) attributes {dimension_semantics = [#tpu.dimension_semantics<core_parallel>, #tpu.dimension_semantics<subcore_parallel>], iteration_bounds = array<i64: 2, 16>, scalar_prefetch = 0 : i64, scratch_operands = 4 : i64, tpu.core_type = #tpu.core_type<sc_vector_subcore>, window_params = [{transform_indices = #map}, {transform_indices = #map1}, {transform_indices = #map1}, {transform_indices = #map1}]} {
    %mul3A = arith.constant 16 : i32
    %mul3A_0 = arith.muli %arg0, %mul3A : i32
    %add3A = arith.addi %mul3A_0, %arg1 : i32
    %mul3A_1 = arith.constant 640 : i32
    %mul3A_2 = arith.muli %arg1, %mul3A_1 : i32
    %scan3A = arith.constant 0 : i32
    %scan3A_3 = arith.constant 64 : i32
    %scan3A_4 = arith.addi %scan3A, %scan3A_3 : i32
    %scan3A_5 = arith.constant 1 : i32
    scf.for %scan3A_18 = %scan3A to %scan3A_4 step %scan3A_5  : i32 {
      %mul3A_19 = arith.constant 1 : i32
      %mul3A_20 = arith.muli %scan3A_18, %mul3A_19 : i32
      %add3A_21 = arith.constant 0 : i32
      %add3A_22 = arith.addi %add3A_21, %mul3A_20 : i32
      %broadcast_in_dim3A = arith.constant 0.000000e+00 : f32
      %broadcast_in_dim3A_23 = vector.broadcast %broadcast_in_dim3A : f32 to vector<16xf32>
      %swap3A = arith.index_cast %add3A_22 : i32 to index
      %swap3A_24 = arith.constant 0 : index
      %swap3A_25 = tpu.vector_load %arg8[%swap3A, %swap3A_24] {strides = array<i32>} : memref<125x128xf32, #tpu.memory_space<vmem>>, vector<1x16xf32>,
      %swap3A_26 = vector.shape_cast %swap3A_25 : vector<1x16xf32> to vector<16xf32>
      %swap3A_27 = vector.shape_cast %broadcast_in_dim3A_23 : vector<16xf32> to vector<1x16xf32>
      tpu.vector_store %arg8[%swap3A, %swap3A_24], %swap3A_27 {strides = array<i32>} : memref<125x128xf32, #tpu.memory_space<vmem>>, vector<1x16xf32>,
      %broadcast_in_dim3A_28 = arith.constant 0.000000e+00 : f32
      %broadcast_in_dim3A_29 = vector.broadcast %broadcast_in_dim3A_28 : f32 to vector<16xf32>
      %swap3A_30 = arith.index_cast %add3A_22 : i32 to index
      %swap3A_31 = arith.constant 16 : index
      %swap3A_32 = tpu.vector_load %arg8[%swap3A_30, %swap3A_31] {strides = array<i32>} : memref<125x128xf32, #tpu.memory_space<vmem>>, vector<1x16xf32>,
      %swap3A_33 = vector.shape_cast %swap3A_32 : vector<1x16xf32> to vector<16xf32>
      %swap3A_34 = vector.shape_cast %broadcast_in_dim3A_29 : vector<16xf32> to vector<1x16xf32>
      tpu.vector_store %arg8[%swap3A_30, %swap3A_31], %swap3A_34 {strides = array<i32>} : memref<125x128xf32, #tpu.memory_space<vmem>>, vector<1x16xf32>,
      %broadcast_in_dim3A_35 = arith.constant 0.000000e+00 : f32
      %broadcast_in_dim3A_36 = vector.broadcast %broadcast_in_dim3A_35 : f32 to vector<16xf32>
      %swap3A_37 = arith.index_cast %add3A_22 : i32 to index
      %swap3A_38 = arith.constant 32 : index
      %swap3A_39 = tpu.vector_load %arg8[%swap3A_37, %swap3A_38] {strides = array<i32>} : memref<125x128xf32, #tpu.memory_space<vmem>>, vector<1x16xf32>,
      %swap3A_40 = vector.shape_cast %swap3A_39 : vector<1x16xf32> to vector<16xf32>
      %swap3A_41 = vector.shape_cast %broadcast_in_dim3A_36 : vector<16xf32> to vector<1x16xf32>
      tpu.vector_store %arg8[%swap3A_37, %swap3A_38], %swap3A_41 {strides = array<i32>} : memref<125x128xf32, #tpu.memory_space<vmem>>, vector<1x16xf32>,
      %broadcast_in_dim3A_42 = arith.constant 0.000000e+00 : f32
      %broadcast_in_dim3A_43 = vector.broadcast %broadcast_in_dim3A_42 : f32 to vector<16xf32>
      %swap3A_44 = arith.index_cast %add3A_22 : i32 to index
      %swap3A_45 = arith.constant 48 : index
      %swap3A_46 = tpu.vector_load %arg8[%swap3A_44, %swap3A_45] {strides = array<i32>} : memref<125x128xf32, #tpu.memory_space<vmem>>, vector<1x16xf32>,
      %swap3A_47 = vector.shape_cast %swap3A_46 : vector<1x16xf32> to vector<16xf32>
      %swap3A_48 = vector.shape_cast %broadcast_in_dim3A_43 : vector<16xf32> to vector<1x16xf32>
      tpu.vector_store %arg8[%swap3A_44, %swap3A_45], %swap3A_48 {strides = array<i32>} : memref<125x128xf32, #tpu.memory_space<vmem>>, vector<1x16xf32>,
      %broadcast_in_dim3A_49 = arith.constant 0.000000e+00 : f32
      %broadcast_in_dim3A_50 = vector.broadcast %broadcast_in_dim3A_49 : f32 to vector<16xf32>
      %swap3A_51 = arith.index_cast %add3A_22 : i32 to index
      %swap3A_52 = arith.constant 64 : index
      %swap3A_53 = tpu.vector_load %arg8[%swap3A_51, %swap3A_52] {strides = array<i32>} : memref<125x128xf32, #tpu.memory_space<vmem>>, vector<1x16xf32>,
      %swap3A_54 = vector.shape_cast %swap3A_53 : vector<1x16xf32> to vector<16xf32>
      %swap3A_55 = vector.shape_cast %broadcast_in_dim3A_50 : vector<16xf32> to vector<1x16xf32>
      tpu.vector_store %arg8[%swap3A_51, %swap3A_52], %swap3A_55 {strides = array<i32>} : memref<125x128xf32, #tpu.memory_space<vmem>>, vector<1x16xf32>,
      %broadcast_in_dim3A_56 = arith.constant 0.000000e+00 : f32
      %broadcast_in_dim3A_57 = vector.broadcast %broadcast_in_dim3A_56 : f32 to vector<16xf32>
      %swap3A_58 = arith.index_cast %add3A_22 : i32 to index
      %swap3A_59 = arith.constant 80 : index
      %swap3A_60 = tpu.vector_load %arg8[%swap3A_58, %swap3A_59] {strides = array<i32>} : memref<125x128xf32, #tpu.memory_space<vmem>>, vector<1x16xf32>,
      %swap3A_61 = vector.shape_cast %swap3A_60 : vector<1x16xf32> to vector<16xf32>
      %swap3A_62 = vector.shape_cast %broadcast_in_dim3A_57 : vector<16xf32> to vector<1x16xf32>
      tpu.vector_store %arg8[%swap3A_58, %swap3A_59], %swap3A_62 {strides = array<i32>} : memref<125x128xf32, #tpu.memory_space<vmem>>, vector<1x16xf32>,
      %broadcast_in_dim3A_63 = arith.constant 0.000000e+00 : f32
      %broadcast_in_dim3A_64 = vector.broadcast %broadcast_in_dim3A_63 : f32 to vector<16xf32>
      %swap3A_65 = arith.index_cast %add3A_22 : i32 to index
      %swap3A_66 = arith.constant 96 : index
      %swap3A_67 = tpu.vector_load %arg8[%swap3A_65, %swap3A_66] {strides = array<i32>} : memref<125x128xf32, #tpu.memory_space<vmem>>, vector<1x16xf32>,
      %swap3A_68 = vector.shape_cast %swap3A_67 : vector<1x16xf32> to vector<16xf32>
      %swap3A_69 = vector.shape_cast %broadcast_in_dim3A_64 : vector<16xf32> to vector<1x16xf32>
      tpu.vector_store %arg8[%swap3A_65, %swap3A_66], %swap3A_69 {strides = array<i32>} : memref<125x128xf32, #tpu.memory_space<vmem>>, vector<1x16xf32>,
      %broadcast_in_dim3A_70 = arith.constant 0.000000e+00 : f32
      %broadcast_in_dim3A_71 = vector.broadcast %broadcast_in_dim3A_70 : f32 to vector<16xf32>
      %swap3A_72 = arith.index_cast %add3A_22 : i32 to index
      %swap3A_73 = arith.constant 112 : index
      %swap3A_74 = tpu.vector_load %arg8[%swap3A_72, %swap3A_73] {strides = array<i32>} : memref<125x128xf32, #tpu.memory_space<vmem>>, vector<1x16xf32>,
      %swap3A_75 = vector.shape_cast %swap3A_74 : vector<1x16xf32> to vector<16xf32>
      %swap3A_76 = vector.shape_cast %broadcast_in_dim3A_71 : vector<16xf32> to vector<1x16xf32>
      tpu.vector_store %arg8[%swap3A_72, %swap3A_73], %swap3A_76 {strides = array<i32>} : memref<125x128xf32, #tpu.memory_space<vmem>>, vector<1x16xf32>,
    }
    %scan3A_6 = arith.constant 64 : i32
    %scan3A_7 = arith.constant 0 : i32
    %scan3A_8 = arith.constant 10 : i32
    %scan3A_9 = arith.addi %scan3A_7, %scan3A_8 : i32
    %scan3A_10 = arith.constant 1 : i32
    scf.for %scan3A_18 = %scan3A_7 to %scan3A_9 step %scan3A_10  : i32 {
      %mul3A_19 = arith.constant 1 : i32
      %mul3A_20 = arith.muli %scan3A_18, %mul3A_19 : i32
      %add3A_21 = arith.constant 0 : i32
      %add3A_22 = arith.addi %add3A_21, %mul3A_20 : i32
      %mul3A_23 = arith.constant 64 : i32
      %mul3A_24 = arith.muli %add3A_22, %mul3A_23 : i32
      %add3A_25 = arith.addi %mul3A_2, %mul3A_24 : i32
      "tpu.region"() ({
        %run_scoped3A = tpu.sem_alloc : memref<!tpu.dma_semaphore, #tpu.memory_space<semaphore_mem>>
        %dma_start3A = arith.constant 0 : i32
        %dma_start3A_26 = arith.constant 0 : i32
        %dma_start3A_27 = tpu.memref_slice %arg8[%dma_start3A, %dma_start3A_26] : memref<125x128xf32, #tpu.memory_space<vmem>> -> memref<64x128xf32, #tpu.memory_space<vmem>>
        %dma_start3A_28 = arith.constant 0 : i32
        %dma_start3A_29 = tpu.memref_slice %arg9[%add3A_25, %dma_start3A_28] : memref<10240x128xf32, #tpu.memory_space<vmem_shared>> -> memref<64x128xf32, #tpu.memory_space<vmem_shared>>
        %dma_start3A_30 = arith.constant 0 : i32
        %dma_start3A_31 = tpu.memref_slice %arg9[%add3A_25, %dma_start3A_30] : memref<10240x128xf32, #tpu.memory_space<vmem_shared>> -> memref<64x128xf32, #tpu.memory_space<vmem_shared>>
        %dma_start3A_32 = arith.constant 0 : i32
        %dma_start3A_33 = arith.constant 0 : i32
        %dma_start3A_34 = tpu.memref_slice %arg8[%dma_start3A_32, %dma_start3A_33] : memref<125x128xf32, #tpu.memory_space<vmem>> -> memref<64x128xf32, #tpu.memory_space<vmem>>
        tpu.enqueue_dma source(%dma_start3A_34 : memref<64x128xf32, #tpu.memory_space<vmem>>) target(%dma_start3A_31 : memref<64x128xf32, #tpu.memory_space<vmem_shared>>) target_semaphore(%run_scoped3A : memref<!tpu.dma_semaphore, #tpu.memory_space<semaphore_mem>>)
        %dma_wait3A = arith.constant 0 : i32
        %dma_wait3A_35 = arith.constant 0 : i32
        %dma_wait3A_36 = tpu.memref_slice %arg8[%dma_wait3A, %dma_wait3A_35] : memref<125x128xf32, #tpu.memory_space<vmem>> -> memref<64x128xf32, #tpu.memory_space<vmem>>
        %dma_wait3A_37 = arith.constant 0 : i32
        %dma_wait3A_38 = tpu.memref_slice %arg9[%add3A_25, %dma_wait3A_37] : memref<10240x128xf32, #tpu.memory_space<vmem_shared>> -> memref<64x128xf32, #tpu.memory_space<vmem_shared>>
        %dma_wait3A_39 = arith.constant 0 : i32
        %dma_wait3A_40 = tpu.memref_slice %arg9[%add3A_25, %dma_wait3A_39] : memref<10240x128xf32, #tpu.memory_space<vmem_shared>> -> memref<64x128xf32, #tpu.memory_space<vmem_shared>>
        %dma_wait3A_41 = arith.constant 0 : i32
        %dma_wait3A_42 = arith.constant 0 : i32
        %dma_wait3A_43 = tpu.memref_slice %arg8[%dma_wait3A_41, %dma_wait3A_42] : memref<125x128xf32, #tpu.memory_space<vmem>> -> memref<64x128xf32, #tpu.memory_space<vmem>>
        tpu.wait_dma2 semaphore(%run_scoped3A : memref<!tpu.dma_semaphore, #tpu.memory_space<semaphore_mem>>) src(%dma_wait3A_43 : memref<64x128xf32, #tpu.memory_space<vmem>>) dst(%dma_wait3A_40 : memref<64x128xf32, #tpu.memory_space<vmem_shared>>)
        tpu.yield
      }) : () -> ()
    }
    %scan3A_11 = arith.constant 10 : i32
    %barrier3A = arith.constant 0 : index
    tpu.barrier barrier_id(%barrier3A)
    "tpu.region"() ({
      %run_scoped3A = tpu.sem_alloc : memref<!tpu.dma_semaphore, #tpu.memory_space<semaphore_mem>>
      %dma_start3A = arith.constant 0 : i32
      %dma_start3A_18 = arith.constant 0 : i32
      %dma_start3A_19 = tpu.memref_slice %arg3[%add3A, %dma_start3A, %dma_start3A_18] : memref<32x80x125xi32, #tpu.memory_space<hbm>> -> memref<1x80x125xi32, #tpu.memory_space<hbm>>
      %dma_start3A_20 = tpu.memref_squeeze %dma_start3A_19 : memref<1x80x125xi32, #tpu.memory_space<hbm>> -> memref<80x125xi32, #tpu.memory_space<hbm>>
      %dma_start3A_21 = arith.constant 0 : i32
      %dma_start3A_22 = arith.constant 0 : i32
      %dma_start3A_23 = tpu.memref_slice %arg3[%add3A, %dma_start3A_21, %dma_start3A_22] : memref<32x80x125xi32, #tpu.memory_space<hbm>> -> memref<1x80x125xi32, #tpu.memory_space<hbm>>
      %dma_start3A_24 = tpu.memref_squeeze %dma_start3A_23 : memref<1x80x125xi32, #tpu.memory_space<hbm>> -> memref<80x125xi32, #tpu.memory_space<hbm>>
      tpu.enqueue_dma source(%dma_start3A_24 : memref<80x125xi32, #tpu.memory_space<hbm>>) target(%arg6 : memref<80x125xi32, #tpu.memory_space<vmem>>) target_semaphore(%run_scoped3A : memref<!tpu.dma_semaphore, #tpu.memory_space<semaphore_mem>>)
      %dma_wait3A = arith.constant 0 : i32
      %dma_wait3A_25 = arith.constant 0 : i32
      %dma_wait3A_26 = tpu.memref_slice %arg3[%add3A, %dma_wait3A, %dma_wait3A_25] : memref<32x80x125xi32, #tpu.memory_space<hbm>> -> memref<1x80x125xi32, #tpu.memory_space<hbm>>
      %dma_wait3A_27 = tpu.memref_squeeze %dma_wait3A_26 : memref<1x80x125xi32, #tpu.memory_space<hbm>> -> memref<80x125xi32, #tpu.memory_space<hbm>>
      %dma_wait3A_28 = arith.constant 0 : i32
      %dma_wait3A_29 = arith.constant 0 : i32
      %dma_wait3A_30 = tpu.memref_slice %arg3[%add3A, %dma_wait3A_28, %dma_wait3A_29] : memref<32x80x125xi32, #tpu.memory_space<hbm>> -> memref<1x80x125xi32, #tpu.memory_space<hbm>>
      %dma_wait3A_31 = tpu.memref_squeeze %dma_wait3A_30 : memref<1x80x125xi32, #tpu.memory_space<hbm>> -> memref<80x125xi32, #tpu.memory_space<hbm>>
      tpu.wait_dma2 semaphore(%run_scoped3A : memref<!tpu.dma_semaphore, #tpu.memory_space<semaphore_mem>>) src(%dma_wait3A_31 : memref<80x125xi32, #tpu.memory_space<hbm>>) dst(%arg6 : memref<80x125xi32, #tpu.memory_space<vmem>>)
      tpu.yield
    }) : () -> ()
    "tpu.region"() ({
      %run_scoped3A = tpu.sem_alloc : memref<!tpu.dma_semaphore, #tpu.memory_space<semaphore_mem>>
      %dma_start3A = arith.constant 0 : i32
      %dma_start3A_18 = arith.constant 0 : i32
      %dma_start3A_19 = tpu.memref_slice %arg4[%add3A, %dma_start3A, %dma_start3A_18] : memref<32x80x125xi32, #tpu.memory_space<hbm>> -> memref<1x80x125xi32, #tpu.memory_space<hbm>>
      %dma_start3A_20 = tpu.memref_squeeze %dma_start3A_19 : memref<1x80x125xi32, #tpu.memory_space<hbm>> -> memref<80x125xi32, #tpu.memory_space<hbm>>
      %dma_start3A_21 = arith.constant 0 : i32
      %dma_start3A_22 = arith.constant 0 : i32
      %dma_start3A_23 = tpu.memref_slice %arg4[%add3A, %dma_start3A_21, %dma_start3A_22] : memref<32x80x125xi32, #tpu.memory_space<hbm>> -> memref<1x80x125xi32, #tpu.memory_space<hbm>>
      %dma_start3A_24 = tpu.memref_squeeze %dma_start3A_23 : memref<1x80x125xi32, #tpu.memory_space<hbm>> -> memref<80x125xi32, #tpu.memory_space<hbm>>
      tpu.enqueue_dma source(%dma_start3A_24 : memref<80x125xi32, #tpu.memory_space<hbm>>) target(%arg7 : memref<80x125xi32, #tpu.memory_space<vmem>>) target_semaphore(%run_scoped3A : memref<!tpu.dma_semaphore, #tpu.memory_space<semaphore_mem>>)
      %dma_wait3A = arith.constant 0 : i32
      %dma_wait3A_25 = arith.constant 0 : i32
      %dma_wait3A_26 = tpu.memref_slice %arg4[%add3A, %dma_wait3A, %dma_wait3A_25] : memref<32x80x125xi32, #tpu.memory_space<hbm>> -> memref<1x80x125xi32, #tpu.memory_space<hbm>>
      %dma_wait3A_27 = tpu.memref_squeeze %dma_wait3A_26 : memref<1x80x125xi32, #tpu.memory_space<hbm>> -> memref<80x125xi32, #tpu.memory_space<hbm>>
      %dma_wait3A_28 = arith.constant 0 : i32
      %dma_wait3A_29 = arith.constant 0 : i32
      %dma_wait3A_30 = tpu.memref_slice %arg4[%add3A, %dma_wait3A_28, %dma_wait3A_29] : memref<32x80x125xi32, #tpu.memory_space<hbm>> -> memref<1x80x125xi32, #tpu.memory_space<hbm>>
      %dma_wait3A_31 = tpu.memref_squeeze %dma_wait3A_30 : memref<1x80x125xi32, #tpu.memory_space<hbm>> -> memref<80x125xi32, #tpu.memory_space<hbm>>
      tpu.wait_dma2 semaphore(%run_scoped3A : memref<!tpu.dma_semaphore, #tpu.memory_space<semaphore_mem>>) src(%dma_wait3A_31 : memref<80x125xi32, #tpu.memory_space<hbm>>) dst(%arg7 : memref<80x125xi32, #tpu.memory_space<vmem>>)
      tpu.yield
    }) : () -> ()
    %scan3A_12 = arith.constant 0 : i32
    %scan3A_13 = arith.constant 80 : i32
    %scan3A_14 = arith.addi %scan3A_12, %scan3A_13 : i32
    %scan3A_15 = arith.constant 1 : i32
    scf.for %scan3A_18 = %scan3A_12 to %scan3A_14 step %scan3A_15  : i32 {
      %mul3A_19 = arith.constant 1 : i32
      %mul3A_20 = arith.muli %scan3A_18, %mul3A_19 : i32
      %add3A_21 = arith.constant 0 : i32
      %add3A_22 = arith.addi %add3A_21, %mul3A_20 : i32
      "tpu.region"() ({
        %run_scoped3A = tpu.sem_alloc : memref<!tpu.dma_semaphore, #tpu.memory_space<semaphore_mem>>
        %dma_start3A = arith.constant 0 : i32
        %dma_start3A_23 = tpu.memref_slice %arg6[%add3A_22, %dma_start3A] : memref<80x125xi32, #tpu.memory_space<vmem>> -> memref<1x125xi32, #tpu.memory_space<vmem>>
        %dma_start3A_24 = tpu.memref_squeeze %dma_start3A_23 : memref<1x125xi32, #tpu.memory_space<vmem>> -> memref<125xi32, #tpu.memory_space<vmem>>
        %dma_start3A_25 = arith.constant 0 : i32
        %dma_start3A_26 = arith.constant 0 : i32
        %dma_start3A_27 = tpu.memref_slice %arg2[%dma_start3A_25, %dma_start3A_26] : memref<10240x128xf32, #tpu.memory_space<hbm>> -> memref<10240x128xf32, #tpu.memory_space<hbm>>
        tpu.enqueue_indirect_dma source(%dma_start3A_27 : memref<10240x128xf32, #tpu.memory_space<hbm>>) target(%arg8 : memref<125x128xf32, #tpu.memory_space<vmem>>) offsets(%dma_start3A_24 : memref<125xi32, #tpu.memory_space<vmem>>) semaphore(%run_scoped3A : memref<!tpu.dma_semaphore, #tpu.memory_space<semaphore_mem>>)
        %dma_wait3A = arith.constant 0 : i32
        %dma_wait3A_28 = tpu.memref_slice %arg6[%add3A_22, %dma_wait3A] : memref<80x125xi32, #tpu.memory_space<vmem>> -> memref<1x125xi32, #tpu.memory_space<vmem>>
        %dma_wait3A_29 = tpu.memref_squeeze %dma_wait3A_28 : memref<1x125xi32, #tpu.memory_space<vmem>> -> memref<125xi32, #tpu.memory_space<vmem>>
        %dma_wait3A_30 = arith.constant 0 : i32
        %dma_wait3A_31 = arith.constant 0 : i32
        %dma_wait3A_32 = tpu.memref_slice %arg2[%dma_wait3A_30, %dma_wait3A_31] : memref<10240x128xf32, #tpu.memory_space<hbm>> -> memref<10240x128xf32, #tpu.memory_space<hbm>>
        tpu.wait_indirect_dma semaphore(%run_scoped3A : memref<!tpu.dma_semaphore, #tpu.memory_space<semaphore_mem>>) src(%dma_wait3A_32 : memref<10240x128xf32, #tpu.memory_space<hbm>>) dst(%arg8 : memref<125x128xf32, #tpu.memory_space<vmem>>)
        tpu.yield
      }) : () -> ()
      "tpu.region"() ({
        %run_scoped3A = tpu.sem_alloc : memref<!tpu.dma_semaphore, #tpu.memory_space<semaphore_mem>>
        %dma_start3A = arith.constant 0 : i32
        %dma_start3A_23 = tpu.memref_slice %arg7[%add3A_22, %dma_start3A] : memref<80x125xi32, #tpu.memory_space<vmem>> -> memref<1x125xi32, #tpu.memory_space<vmem>>
        %dma_start3A_24 = tpu.memref_squeeze %dma_start3A_23 : memref<1x125xi32, #tpu.memory_space<vmem>> -> memref<125xi32, #tpu.memory_space<vmem>>
        %dma_start3A_25 = arith.constant 0 : i32
        %dma_start3A_26 = arith.constant 0 : i32
        %dma_start3A_27 = tpu.memref_slice %arg9[%dma_start3A_25, %dma_start3A_26] : memref<10240x128xf32, #tpu.memory_space<vmem_shared>> -> memref<10240x128xf32, #tpu.memory_space<vmem_shared>>
        tpu.enqueue_indirect_dma source(%arg8 : memref<125x128xf32, #tpu.memory_space<vmem>>) target(%dma_start3A_27 : memref<10240x128xf32, #tpu.memory_space<vmem_shared>>) offsets(%dma_start3A_24 : memref<125xi32, #tpu.memory_space<vmem>>) semaphore(%run_scoped3A : memref<!tpu.dma_semaphore, #tpu.memory_space<semaphore_mem>>) {add = true}
        %dma_wait3A = arith.constant 0 : i32
        %dma_wait3A_28 = tpu.memref_slice %arg7[%add3A_22, %dma_wait3A] : memref<80x125xi32, #tpu.memory_space<vmem>> -> memref<1x125xi32, #tpu.memory_space<vmem>>
        %dma_wait3A_29 = tpu.memref_squeeze %dma_wait3A_28 : memref<1x125xi32, #tpu.memory_space<vmem>> -> memref<125xi32, #tpu.memory_space<vmem>>
        %dma_wait3A_30 = arith.constant 0 : i32
        %dma_wait3A_31 = arith.constant 0 : i32
        %dma_wait3A_32 = tpu.memref_slice %arg9[%dma_wait3A_30, %dma_wait3A_31] : memref<10240x128xf32, #tpu.memory_space<vmem_shared>> -> memref<10240x128xf32, #tpu.memory_space<vmem_shared>>
        tpu.wait_indirect_dma semaphore(%run_scoped3A : memref<!tpu.dma_semaphore, #tpu.memory_space<semaphore_mem>>) src(%arg8 : memref<125x128xf32, #tpu.memory_space<vmem>>) dst(%dma_wait3A_32 : memref<10240x128xf32, #tpu.memory_space<vmem_shared>>)
        tpu.yield
      }) : () -> ()
    }
    %scan3A_16 = arith.constant 80 : i32
    %barrier3A_17 = arith.constant 0 : index
    tpu.barrier barrier_id(%barrier3A_17)
    "tpu.region"() ({
      %run_scoped3A = tpu.sem_alloc : memref<!tpu.dma_semaphore, #tpu.memory_space<semaphore_mem>>
      %dma_start3A = arith.constant 0 : i32
      %dma_start3A_18 = tpu.memref_slice %arg5[%arg0, %mul3A_2, %dma_start3A] : memref<2x10240x128xf32, #tpu.memory_space<hbm>> -> memref<1x640x128xf32, #tpu.memory_space<hbm>>
      %dma_start3A_19 = tpu.memref_squeeze %dma_start3A_18 : memref<1x640x128xf32, #tpu.memory_space<hbm>> -> memref<640x128xf32, #tpu.memory_space<hbm>>
      %dma_start3A_20 = arith.constant 0 : i32
      %dma_start3A_21 = tpu.memref_slice %arg9[%mul3A_2, %dma_start3A_20] : memref<10240x128xf32, #tpu.memory_space<vmem_shared>> -> memref<640x128xf32, #tpu.memory_space<vmem_shared>>
      tpu.enqueue_dma source(%dma_start3A_21 : memref<640x128xf32, #tpu.memory_space<vmem_shared>>) target(%dma_start3A_19 : memref<640x128xf32, #tpu.memory_space<hbm>>) target_semaphore(%run_scoped3A : memref<!tpu.dma_semaphore, #tpu.memory_space<semaphore_mem>>)
      %dma_wait3A = arith.constant 0 : i32
      %dma_wait3A_22 = tpu.memref_slice %arg5[%arg0, %mul3A_2, %dma_wait3A] : memref<2x10240x128xf32, #tpu.memory_space<hbm>> -> memref<1x640x128xf32, #tpu.memory_space<hbm>>
      %dma_wait3A_23 = tpu.memref_squeeze %dma_wait3A_22 : memref<1x640x128xf32, #tpu.memory_space<hbm>> -> memref<640x128xf32, #tpu.memory_space<hbm>>
      %dma_wait3A_24 = arith.constant 0 : i32
      %dma_wait3A_25 = tpu.memref_slice %arg9[%mul3A_2, %dma_wait3A_24] : memref<10240x128xf32, #tpu.memory_space<vmem_shared>> -> memref<640x128xf32, #tpu.memory_space<vmem_shared>>
      tpu.wait_dma2 semaphore(%run_scoped3A : memref<!tpu.dma_semaphore, #tpu.memory_space<semaphore_mem>>) src(%dma_wait3A_25 : memref<640x128xf32, #tpu.memory_space<vmem_shared>>) dst(%dma_wait3A_23 : memref<640x128xf32, #tpu.memory_space<hbm>>)
      tpu.yield
    }) : () -> ()
    return
  }
}

#map = affine_map<(d0, d1) -> (0, 0)>
#map1 = affine_map<(d0, d1) -> (0, 0, 0)>
module attributes {stable_mosaic.version = 14 : i64} {
  func.func @_sc_scatter_body(%arg0: i32, %arg1: i32, %arg2: memref<10240x128xf32, #tpu.memory_space<hbm>>, %arg3: memref<32x80x125xi32, #tpu.memory_space<hbm>>, %arg4: memref<32x80x125xi32, #tpu.memory_space<hbm>>, %arg5: memref<2x10240x128xf32, #tpu.memory_space<hbm>>, %arg6: memref<80x125xi32, #tpu.memory_space<vmem>>, %arg7: memref<80x125xi32, #tpu.memory_space<vmem>>, %arg8: memref<125x128xf32, #tpu.memory_space<vmem>>, %arg9: memref<10240x128xf32, #tpu.memory_space<vmem_shared>>) attributes {dimension_semantics = [#tpu.dimension_semantics<core_parallel>, #tpu.dimension_semantics<subcore_parallel>], iteration_bounds = array<i64: 2, 16>, scalar_prefetch = 0 : i64, scratch_operands = 4 : i64, tpu.core_type = #tpu.core_type<sc_vector_subcore>, window_params = [{transform_indices = #map}, {transform_indices = #map1}, {transform_indices = #map1}, {transform_indices = #map1}]} {
    %mul3A = arith.constant 16 : i32
    %mul3A_0 = arith.muli %arg0, %mul3A : i32
    %add3A = arith.addi %mul3A_0, %arg1 : i32
    %mul3A_1 = arith.constant 640 : i32
    %mul3A_2 = arith.muli %arg1, %mul3A_1 : i32
    %scan3A = arith.constant 0 : i32
    %scan3A_3 = arith.constant 64 : i32
    %scan3A_4 = arith.addi %scan3A, %scan3A_3 : i32
    %scan3A_5 = arith.constant 1 : i32
    scf.for %scan3A_18 = %scan3A to %scan3A_4 step %scan3A_5  : i32 {
      %mul3A_19 = arith.constant 1 : i32
      %mul3A_20 = arith.muli %scan3A_18, %mul3A_19 : i32
      %add3A_21 = arith.constant 0 : i32
      %add3A_22 = arith.addi %add3A_21, %mul3A_20 : i32
      %broadcast_in_dim3A = arith.constant 0.000000e+00 : f32
      %broadcast_in_dim3A_23 = vector.broadcast %broadcast_in_dim3A : f32 to vector<16xf32>
      %swap3A = arith.index_cast %add3A_22 : i32 to index
      %swap3A_24 = arith.constant 0 : index
      %swap3A_25 = tpu.vector_load %arg8[%swap3A, %swap3A_24] {strides = array<i32>} : memref<125x128xf32, #tpu.memory_space<vmem>>, vector<1x16xf32>,
      %swap3A_26 = vector.shape_cast %swap3A_25 : vector<1x16xf32> to vector<16xf32>
      %swap3A_27 = vector.shape_cast %broadcast_in_dim3A_23 : vector<16xf32> to vector<1x16xf32>
      tpu.vector_store %arg8[%swap3A, %swap3A_24], %swap3A_27 {strides = array<i32>} : memref<125x128xf32, #tpu.memory_space<vmem>>, vector<1x16xf32>,
      %broadcast_in_dim3A_28 = arith.constant 0.000000e+00 : f32
      %broadcast_in_dim3A_29 = vector.broadcast %broadcast_in_dim3A_28 : f32 to vector<16xf32>
      %swap3A_30 = arith.index_cast %add3A_22 : i32 to index
      %swap3A_31 = arith.constant 16 : index
      %swap3A_32 = tpu.vector_load %arg8[%swap3A_30, %swap3A_31] {strides = array<i32>} : memref<125x128xf32, #tpu.memory_space<vmem>>, vector<1x16xf32>,
      %swap3A_33 = vector.shape_cast %swap3A_32 : vector<1x16xf32> to vector<16xf32>
      %swap3A_34 = vector.shape_cast %broadcast_in_dim3A_29 : vector<16xf32> to vector<1x16xf32>
      tpu.vector_store %arg8[%swap3A_30, %swap3A_31], %swap3A_34 {strides = array<i32>} : memref<125x128xf32, #tpu.memory_space<vmem>>, vector<1x16xf32>,
      %broadcast_in_dim3A_35 = arith.constant 0.000000e+00 : f32
      %broadcast_in_dim3A_36 = vector.broadcast %broadcast_in_dim3A_35 : f32 to vector<16xf32>
      %swap3A_37 = arith.index_cast %add3A_22 : i32 to index
      %swap3A_38 = arith.constant 32 : index
      %swap3A_39 = tpu.vector_load %arg8[%swap3A_37, %swap3A_38] {strides = array<i32>} : memref<125x128xf32, #tpu.memory_space<vmem>>, vector<1x16xf32>,
      %swap3A_40 = vector.shape_cast %swap3A_39 : vector<1x16xf32> to vector<16xf32>
      %swap3A_41 = vector.shape_cast %broadcast_in_dim3A_36 : vector<16xf32> to vector<1x16xf32>
      tpu.vector_store %arg8[%swap3A_37, %swap3A_38], %swap3A_41 {strides = array<i32>} : memref<125x128xf32, #tpu.memory_space<vmem>>, vector<1x16xf32>,
      %broadcast_in_dim3A_42 = arith.constant 0.000000e+00 : f32
      %broadcast_in_dim3A_43 = vector.broadcast %broadcast_in_dim3A_42 : f32 to vector<16xf32>
      %swap3A_44 = arith.index_cast %add3A_22 : i32 to index
      %swap3A_45 = arith.constant 48 : index
      %swap3A_46 = tpu.vector_load %arg8[%swap3A_44, %swap3A_45] {strides = array<i32>} : memref<125x128xf32, #tpu.memory_space<vmem>>, vector<1x16xf32>,
      %swap3A_47 = vector.shape_cast %swap3A_46 : vector<1x16xf32> to vector<16xf32>
      %swap3A_48 = vector.shape_cast %broadcast_in_dim3A_43 : vector<16xf32> to vector<1x16xf32>
      tpu.vector_store %arg8[%swap3A_44, %swap3A_45], %swap3A_48 {strides = array<i32>} : memref<125x128xf32, #tpu.memory_space<vmem>>, vector<1x16xf32>,
      %broadcast_in_dim3A_49 = arith.constant 0.000000e+00 : f32
      %broadcast_in_dim3A_50 = vector.broadcast %broadcast_in_dim3A_49 : f32 to vector<16xf32>
      %swap3A_51 = arith.index_cast %add3A_22 : i32 to index
      %swap3A_52 = arith.constant 64 : index
      %swap3A_53 = tpu.vector_load %arg8[%swap3A_51, %swap3A_52] {strides = array<i32>} : memref<125x128xf32, #tpu.memory_space<vmem>>, vector<1x16xf32>,
      %swap3A_54 = vector.shape_cast %swap3A_53 : vector<1x16xf32> to vector<16xf32>
      %swap3A_55 = vector.shape_cast %broadcast_in_dim3A_50 : vector<16xf32> to vector<1x16xf32>
      tpu.vector_store %arg8[%swap3A_51, %swap3A_52], %swap3A_55 {strides = array<i32>} : memref<125x128xf32, #tpu.memory_space<vmem>>, vector<1x16xf32>,
      %broadcast_in_dim3A_56 = arith.constant 0.000000e+00 : f32
      %broadcast_in_dim3A_57 = vector.broadcast %broadcast_in_dim3A_56 : f32 to vector<16xf32>
      %swap3A_58 = arith.index_cast %add3A_22 : i32 to index
      %swap3A_59 = arith.constant 80 : index
      %swap3A_60 = tpu.vector_load %arg8[%swap3A_58, %swap3A_59] {strides = array<i32>} : memref<125x128xf32, #tpu.memory_space<vmem>>, vector<1x16xf32>,
      %swap3A_61 = vector.shape_cast %swap3A_60 : vector<1x16xf32> to vector<16xf32>
      %swap3A_62 = vector.shape_cast %broadcast_in_dim3A_57 : vector<16xf32> to vector<1x16xf32>
      tpu.vector_store %arg8[%swap3A_58, %swap3A_59], %swap3A_62 {strides = array<i32>} : memref<125x128xf32, #tpu.memory_space<vmem>>, vector<1x16xf32>,
      %broadcast_in_dim3A_63 = arith.constant 0.000000e+00 : f32
      %broadcast_in_dim3A_64 = vector.broadcast %broadcast_in_dim3A_63 : f32 to vector<16xf32>
      %swap3A_65 = arith.index_cast %add3A_22 : i32 to index
      %swap3A_66 = arith.constant 96 : index
      %swap3A_67 = tpu.vector_load %arg8[%swap3A_65, %swap3A_66] {strides = array<i32>} : memref<125x128xf32, #tpu.memory_space<vmem>>, vector<1x16xf32>,
      %swap3A_68 = vector.shape_cast %swap3A_67 : vector<1x16xf32> to vector<16xf32>
      %swap3A_69 = vector.shape_cast %broadcast_in_dim3A_64 : vector<16xf32> to vector<1x16xf32>
      tpu.vector_store %arg8[%swap3A_65, %swap3A_66], %swap3A_69 {strides = array<i32>} : memref<125x128xf32, #tpu.memory_space<vmem>>, vector<1x16xf32>,
      %broadcast_in_dim3A_70 = arith.constant 0.000000e+00 : f32
      %broadcast_in_dim3A_71 = vector.broadcast %broadcast_in_dim3A_70 : f32 to vector<16xf32>
      %swap3A_72 = arith.index_cast %add3A_22 : i32 to index
      %swap3A_73 = arith.constant 112 : index
      %swap3A_74 = tpu.vector_load %arg8[%swap3A_72, %swap3A_73] {strides = array<i32>} : memref<125x128xf32, #tpu.memory_space<vmem>>, vector<1x16xf32>,
      %swap3A_75 = vector.shape_cast %swap3A_74 : vector<1x16xf32> to vector<16xf32>
      %swap3A_76 = vector.shape_cast %broadcast_in_dim3A_71 : vector<16xf32> to vector<1x16xf32>
      tpu.vector_store %arg8[%swap3A_72, %swap3A_73], %swap3A_76 {strides = array<i32>} : memref<125x128xf32, #tpu.memory_space<vmem>>, vector<1x16xf32>,
    }
    %scan3A_6 = arith.constant 64 : i32
    %scan3A_7 = arith.constant 0 : i32
    %scan3A_8 = arith.constant 10 : i32
    %scan3A_9 = arith.addi %scan3A_7, %scan3A_8 : i32
    %scan3A_10 = arith.constant 1 : i32
    scf.for %scan3A_18 = %scan3A_7 to %scan3A_9 step %scan3A_10  : i32 {
      %mul3A_19 = arith.constant 1 : i32
      %mul3A_20 = arith.muli %scan3A_18, %mul3A_19 : i32
      %add3A_21 = arith.constant 0 : i32
      %add3A_22 = arith.addi %add3A_21, %mul3A_20 : i32
      %mul3A_23 = arith.constant 64 : i32
      %mul3A_24 = arith.muli %add3A_22, %mul3A_23 : i32
      %add3A_25 = arith.addi %mul3A_2, %mul3A_24 : i32
      "tpu.region"() ({
        %run_scoped3A = tpu.sem_alloc : memref<!tpu.dma_semaphore, #tpu.memory_space<semaphore_mem>>
        %dma_start3A = arith.constant 0 : i32
        %dma_start3A_26 = arith.constant 0 : i32
        %dma_start3A_27 = tpu.memref_slice %arg8[%dma_start3A, %dma_start3A_26] : memref<125x128xf32, #tpu.memory_space<vmem>> -> memref<64x128xf32, #tpu.memory_space<vmem>>
        %dma_start3A_28 = arith.constant 0 : i32
        %dma_start3A_29 = tpu.memref_slice %arg9[%add3A_25, %dma_start3A_28] : memref<10240x128xf32, #tpu.memory_space<vmem_shared>> -> memref<64x128xf32, #tpu.memory_space<vmem_shared>>
        %dma_start3A_30 = arith.constant 0 : i32
        %dma_start3A_31 = tpu.memref_slice %arg9[%add3A_25, %dma_start3A_30] : memref<10240x128xf32, #tpu.memory_space<vmem_shared>> -> memref<64x128xf32, #tpu.memory_space<vmem_shared>>
        %dma_start3A_32 = arith.constant 0 : i32
        %dma_start3A_33 = arith.constant 0 : i32
        %dma_start3A_34 = tpu.memref_slice %arg8[%dma_start3A_32, %dma_start3A_33] : memref<125x128xf32, #tpu.memory_space<vmem>> -> memref<64x128xf32, #tpu.memory_space<vmem>>
        tpu.enqueue_dma source(%dma_start3A_34 : memref<64x128xf32, #tpu.memory_space<vmem>>) target(%dma_start3A_31 : memref<64x128xf32, #tpu.memory_space<vmem_shared>>) target_semaphore(%run_scoped3A : memref<!tpu.dma_semaphore, #tpu.memory_space<semaphore_mem>>)
        %dma_wait3A = arith.constant 0 : i32
        %dma_wait3A_35 = arith.constant 0 : i32
        %dma_wait3A_36 = tpu.memref_slice %arg8[%dma_wait3A, %dma_wait3A_35] : memref<125x128xf32, #tpu.memory_space<vmem>> -> memref<64x128xf32, #tpu.memory_space<vmem>>
        %dma_wait3A_37 = arith.constant 0 : i32
        %dma_wait3A_38 = tpu.memref_slice %arg9[%add3A_25, %dma_wait3A_37] : memref<10240x128xf32, #tpu.memory_space<vmem_shared>> -> memref<64x128xf32, #tpu.memory_space<vmem_shared>>
        %dma_wait3A_39 = arith.constant 0 : i32
        %dma_wait3A_40 = tpu.memref_slice %arg9[%add3A_25, %dma_wait3A_39] : memref<10240x128xf32, #tpu.memory_space<vmem_shared>> -> memref<64x128xf32, #tpu.memory_space<vmem_shared>>
        %dma_wait3A_41 = arith.constant 0 : i32
        %dma_wait3A_42 = arith.constant 0 : i32
        %dma_wait3A_43 = tpu.memref_slice %arg8[%dma_wait3A_41, %dma_wait3A_42] : memref<125x128xf32, #tpu.memory_space<vmem>> -> memref<64x128xf32, #tpu.memory_space<vmem>>
        tpu.wait_dma2 semaphore(%run_scoped3A : memref<!tpu.dma_semaphore, #tpu.memory_space<semaphore_mem>>) src(%dma_wait3A_43 : memref<64x128xf32, #tpu.memory_space<vmem>>) dst(%dma_wait3A_40 : memref<64x128xf32, #tpu.memory_space<vmem_shared>>)
        tpu.yield
      }) : () -> ()
    }
    %scan3A_11 = arith.constant 10 : i32
    %barrier3A = arith.constant 0 : index
    tpu.barrier barrier_id(%barrier3A)
    "tpu.region"() ({
      %run_scoped3A = tpu.sem_alloc : memref<!tpu.dma_semaphore, #tpu.memory_space<semaphore_mem>>
      %dma_start3A = arith.constant 0 : i32
      %dma_start3A_18 = arith.constant 0 : i32
      %dma_start3A_19 = tpu.memref_slice %arg3[%add3A, %dma_start3A, %dma_start3A_18] : memref<32x80x125xi32, #tpu.memory_space<hbm>> -> memref<1x80x125xi32, #tpu.memory_space<hbm>>
      %dma_start3A_20 = tpu.memref_squeeze %dma_start3A_19 : memref<1x80x125xi32, #tpu.memory_space<hbm>> -> memref<80x125xi32, #tpu.memory_space<hbm>>
      %dma_start3A_21 = arith.constant 0 : i32
      %dma_start3A_22 = arith.constant 0 : i32
      %dma_start3A_23 = tpu.memref_slice %arg3[%add3A, %dma_start3A_21, %dma_start3A_22] : memref<32x80x125xi32, #tpu.memory_space<hbm>> -> memref<1x80x125xi32, #tpu.memory_space<hbm>>
      %dma_start3A_24 = tpu.memref_squeeze %dma_start3A_23 : memref<1x80x125xi32, #tpu.memory_space<hbm>> -> memref<80x125xi32, #tpu.memory_space<hbm>>
      tpu.enqueue_dma source(%dma_start3A_24 : memref<80x125xi32, #tpu.memory_space<hbm>>) target(%arg6 : memref<80x125xi32, #tpu.memory_space<vmem>>) target_semaphore(%run_scoped3A : memref<!tpu.dma_semaphore, #tpu.memory_space<semaphore_mem>>)
      %dma_wait3A = arith.constant 0 : i32
      %dma_wait3A_25 = arith.constant 0 : i32
      %dma_wait3A_26 = tpu.memref_slice %arg3[%add3A, %dma_wait3A, %dma_wait3A_25] : memref<32x80x125xi32, #tpu.memory_space<hbm>> -> memref<1x80x125xi32, #tpu.memory_space<hbm>>
      %dma_wait3A_27 = tpu.memref_squeeze %dma_wait3A_26 : memref<1x80x125xi32, #tpu.memory_space<hbm>> -> memref<80x125xi32, #tpu.memory_space<hbm>>
      %dma_wait3A_28 = arith.constant 0 : i32
      %dma_wait3A_29 = arith.constant 0 : i32
      %dma_wait3A_30 = tpu.memref_slice %arg3[%add3A, %dma_wait3A_28, %dma_wait3A_29] : memref<32x80x125xi32, #tpu.memory_space<hbm>> -> memref<1x80x125xi32, #tpu.memory_space<hbm>>
      %dma_wait3A_31 = tpu.memref_squeeze %dma_wait3A_30 : memref<1x80x125xi32, #tpu.memory_space<hbm>> -> memref<80x125xi32, #tpu.memory_space<hbm>>
      tpu.wait_dma2 semaphore(%run_scoped3A : memref<!tpu.dma_semaphore, #tpu.memory_space<semaphore_mem>>) src(%dma_wait3A_31 : memref<80x125xi32, #tpu.memory_space<hbm>>) dst(%arg6 : memref<80x125xi32, #tpu.memory_space<vmem>>)
      tpu.yield
    }) : () -> ()
    "tpu.region"() ({
      %run_scoped3A = tpu.sem_alloc : memref<!tpu.dma_semaphore, #tpu.memory_space<semaphore_mem>>
      %dma_start3A = arith.constant 0 : i32
      %dma_start3A_18 = arith.constant 0 : i32
      %dma_start3A_19 = tpu.memref_slice %arg4[%add3A, %dma_start3A, %dma_start3A_18] : memref<32x80x125xi32, #tpu.memory_space<hbm>> -> memref<1x80x125xi32, #tpu.memory_space<hbm>>
      %dma_start3A_20 = tpu.memref_squeeze %dma_start3A_19 : memref<1x80x125xi32, #tpu.memory_space<hbm>> -> memref<80x125xi32, #tpu.memory_space<hbm>>
      %dma_start3A_21 = arith.constant 0 : i32
      %dma_start3A_22 = arith.constant 0 : i32
      %dma_start3A_23 = tpu.memref_slice %arg4[%add3A, %dma_start3A_21, %dma_start3A_22] : memref<32x80x125xi32, #tpu.memory_space<hbm>> -> memref<1x80x125xi32, #tpu.memory_space<hbm>>
      %dma_start3A_24 = tpu.memref_squeeze %dma_start3A_23 : memref<1x80x125xi32, #tpu.memory_space<hbm>> -> memref<80x125xi32, #tpu.memory_space<hbm>>
      tpu.enqueue_dma source(%dma_start3A_24 : memref<80x125xi32, #tpu.memory_space<hbm>>) target(%arg7 : memref<80x125xi32, #tpu.memory_space<vmem>>) target_semaphore(%run_scoped3A : memref<!tpu.dma_semaphore, #tpu.memory_space<semaphore_mem>>)
      %dma_wait3A = arith.constant 0 : i32
      %dma_wait3A_25 = arith.constant 0 : i32
      %dma_wait3A_26 = tpu.memref_slice %arg4[%add3A, %dma_wait3A, %dma_wait3A_25] : memref<32x80x125xi32, #tpu.memory_space<hbm>> -> memref<1x80x125xi32, #tpu.memory_space<hbm>>
      %dma_wait3A_27 = tpu.memref_squeeze %dma_wait3A_26 : memref<1x80x125xi32, #tpu.memory_space<hbm>> -> memref<80x125xi32, #tpu.memory_space<hbm>>
      %dma_wait3A_28 = arith.constant 0 : i32
      %dma_wait3A_29 = arith.constant 0 : i32
      %dma_wait3A_30 = tpu.memref_slice %arg4[%add3A, %dma_wait3A_28, %dma_wait3A_29] : memref<32x80x125xi32, #tpu.memory_space<hbm>> -> memref<1x80x125xi32, #tpu.memory_space<hbm>>
      %dma_wait3A_31 = tpu.memref_squeeze %dma_wait3A_30 : memref<1x80x125xi32, #tpu.memory_space<hbm>> -> memref<80x125xi32, #tpu.memory_space<hbm>>
      tpu.wait_dma2 semaphore(%run_scoped3A : memref<!tpu.dma_semaphore, #tpu.memory_space<semaphore_mem>>) src(%dma_wait3A_31 : memref<80x125xi32, #tpu.memory_space<hbm>>) dst(%arg7 : memref<80x125xi32, #tpu.memory_space<vmem>>)
      tpu.yield
    }) : () -> ()
    %scan3A_12 = arith.constant 0 : i32
    %scan3A_13 = arith.constant 80 : i32
    %scan3A_14 = arith.addi %scan3A_12, %scan3A_13 : i32
    %scan3A_15 = arith.constant 1 : i32
    scf.for %scan3A_18 = %scan3A_12 to %scan3A_14 step %scan3A_15  : i32 {
      %mul3A_19 = arith.constant 1 : i32
      %mul3A_20 = arith.muli %scan3A_18, %mul3A_19 : i32
      %add3A_21 = arith.constant 0 : i32
      %add3A_22 = arith.addi %add3A_21, %mul3A_20 : i32
      "tpu.region"() ({
        %run_scoped3A = tpu.sem_alloc : memref<!tpu.dma_semaphore, #tpu.memory_space<semaphore_mem>>
        %dma_start3A = arith.constant 0 : i32
        %dma_start3A_23 = tpu.memref_slice %arg6[%add3A_22, %dma_start3A] : memref<80x125xi32, #tpu.memory_space<vmem>> -> memref<1x125xi32, #tpu.memory_space<vmem>>
        %dma_start3A_24 = tpu.memref_squeeze %dma_start3A_23 : memref<1x125xi32, #tpu.memory_space<vmem>> -> memref<125xi32, #tpu.memory_space<vmem>>
        %dma_start3A_25 = arith.constant 0 : i32
        %dma_start3A_26 = arith.constant 0 : i32
        %dma_start3A_27 = tpu.memref_slice %arg2[%dma_start3A_25, %dma_start3A_26] : memref<10240x128xf32, #tpu.memory_space<hbm>> -> memref<10240x128xf32, #tpu.memory_space<hbm>>
        tpu.enqueue_indirect_dma source(%dma_start3A_27 : memref<10240x128xf32, #tpu.memory_space<hbm>>) target(%arg8 : memref<125x128xf32, #tpu.memory_space<vmem>>) offsets(%dma_start3A_24 : memref<125xi32, #tpu.memory_space<vmem>>) semaphore(%run_scoped3A : memref<!tpu.dma_semaphore, #tpu.memory_space<semaphore_mem>>)
        %dma_wait3A = arith.constant 0 : i32
        %dma_wait3A_28 = tpu.memref_slice %arg6[%add3A_22, %dma_wait3A] : memref<80x125xi32, #tpu.memory_space<vmem>> -> memref<1x125xi32, #tpu.memory_space<vmem>>
        %dma_wait3A_29 = tpu.memref_squeeze %dma_wait3A_28 : memref<1x125xi32, #tpu.memory_space<vmem>> -> memref<125xi32, #tpu.memory_space<vmem>>
        %dma_wait3A_30 = arith.constant 0 : i32
        %dma_wait3A_31 = arith.constant 0 : i32
        %dma_wait3A_32 = tpu.memref_slice %arg2[%dma_wait3A_30, %dma_wait3A_31] : memref<10240x128xf32, #tpu.memory_space<hbm>> -> memref<10240x128xf32, #tpu.memory_space<hbm>>
        tpu.wait_indirect_dma semaphore(%run_scoped3A : memref<!tpu.dma_semaphore, #tpu.memory_space<semaphore_mem>>) src(%dma_wait3A_32 : memref<10240x128xf32, #tpu.memory_space<hbm>>) dst(%arg8 : memref<125x128xf32, #tpu.memory_space<vmem>>)
        tpu.yield
      }) : () -> ()
      "tpu.region"() ({
        %run_scoped3A = tpu.sem_alloc : memref<!tpu.dma_semaphore, #tpu.memory_space<semaphore_mem>>
        %dma_start3A = arith.constant 0 : i32
        %dma_start3A_23 = tpu.memref_slice %arg7[%add3A_22, %dma_start3A] : memref<80x125xi32, #tpu.memory_space<vmem>> -> memref<1x125xi32, #tpu.memory_space<vmem>>
        %dma_start3A_24 = tpu.memref_squeeze %dma_start3A_23 : memref<1x125xi32, #tpu.memory_space<vmem>> -> memref<125xi32, #tpu.memory_space<vmem>>
        %dma_start3A_25 = arith.constant 0 : i32
        %dma_start3A_26 = arith.constant 0 : i32
        %dma_start3A_27 = tpu.memref_slice %arg9[%dma_start3A_25, %dma_start3A_26] : memref<10240x128xf32, #tpu.memory_space<vmem_shared>> -> memref<10240x128xf32, #tpu.memory_space<vmem_shared>>
        tpu.enqueue_indirect_dma source(%arg8 : memref<125x128xf32, #tpu.memory_space<vmem>>) target(%dma_start3A_27 : memref<10240x128xf32, #tpu.memory_space<vmem_shared>>) offsets(%dma_start3A_24 : memref<125xi32, #tpu.memory_space<vmem>>) semaphore(%run_scoped3A : memref<!tpu.dma_semaphore, #tpu.memory_space<semaphore_mem>>) {add = true}
        %dma_wait3A = arith.constant 0 : i32
        %dma_wait3A_28 = tpu.memref_slice %arg7[%add3A_22, %dma_wait3A] : memref<80x125xi32, #tpu.memory_space<vmem>> -> memref<1x125xi32, #tpu.memory_space<vmem>>
        %dma_wait3A_29 = tpu.memref_squeeze %dma_wait3A_28 : memref<1x125xi32, #tpu.memory_space<vmem>> -> memref<125xi32, #tpu.memory_space<vmem>>
        %dma_wait3A_30 = arith.constant 0 : i32
        %dma_wait3A_31 = arith.constant 0 : i32
        %dma_wait3A_32 = tpu.memref_slice %arg9[%dma_wait3A_30, %dma_wait3A_31] : memref<10240x128xf32, #tpu.memory_space<vmem_shared>> -> memref<10240x128xf32, #tpu.memory_space<vmem_shared>>
        tpu.wait_indirect_dma semaphore(%run_scoped3A : memref<!tpu.dma_semaphore, #tpu.memory_space<semaphore_mem>>) src(%arg8 : memref<125x128xf32, #tpu.memory_space<vmem>>) dst(%dma_wait3A_32 : memref<10240x128xf32, #tpu.memory_space<vmem_shared>>)
        tpu.yield
      }) : () -> ()
    }
    %scan3A_16 = arith.constant 80 : i32
    %barrier3A_17 = arith.constant 0 : index
    tpu.barrier barrier_id(%barrier3A_17)
    "tpu.region"() ({
      %run_scoped3A = tpu.sem_alloc : memref<!tpu.dma_semaphore, #tpu.memory_space<semaphore_mem>>
      %dma_start3A = arith.constant 0 : i32
      %dma_start3A_18 = tpu.memref_slice %arg5[%arg0, %mul3A_2, %dma_start3A] : memref<2x10240x128xf32, #tpu.memory_space<hbm>> -> memref<1x640x128xf32, #tpu.memory_space<hbm>>
      %dma_start3A_19 = tpu.memref_squeeze %dma_start3A_18 : memref<1x640x128xf32, #tpu.memory_space<hbm>> -> memref<640x128xf32, #tpu.memory_space<hbm>>
      %dma_start3A_20 = arith.constant 0 : i32
      %dma_start3A_21 = tpu.memref_slice %arg9[%mul3A_2, %dma_start3A_20] : memref<10240x128xf32, #tpu.memory_space<vmem_shared>> -> memref<640x128xf32, #tpu.memory_space<vmem_shared>>
      tpu.enqueue_dma source(%dma_start3A_21 : memref<640x128xf32, #tpu.memory_space<vmem_shared>>) target(%dma_start3A_19 : memref<640x128xf32, #tpu.memory_space<hbm>>) target_semaphore(%run_scoped3A : memref<!tpu.dma_semaphore, #tpu.memory_space<semaphore_mem>>)
      %dma_wait3A = arith.constant 0 : i32
      %dma_wait3A_22 = tpu.memref_slice %arg5[%arg0, %mul3A_2, %dma_wait3A] : memref<2x10240x128xf32, #tpu.memory_space<hbm>> -> memref<1x640x128xf32, #tpu.memory_space<hbm>>
      %dma_wait3A_23 = tpu.memref_squeeze %dma_wait3A_22 : memref<1x640x128xf32, #tpu.memory_space<hbm>> -> memref<640x128xf32, #tpu.memory_space<hbm>>
      %dma_wait3A_24 = arith.constant 0 : i32
      %dma_wait3A_25 = tpu.memref_slice %arg9[%mul3A_2, %dma_wait3A_24] : memref<10240x128xf32, #tpu.memory_space<vmem_shared>> -> memref<640x128xf32, #tpu.memory_space<vmem_shared>>
      tpu.wait_dma2 semaphore(%run_scoped3A : memref<!tpu.dma_semaphore, #tpu.memory_space<semaphore_mem>>) src(%dma_wait3A_25 : memref<640x128xf32, #tpu.memory_space<vmem_shared>>) dst(%dma_wait3A_23 : memref<640x128xf32, #tpu.memory_space<hbm>>)
      tpu.yield
    }) : () -> ()
    return
  }
}

module attributes {stable_mosaic.version = 14 : i64} {
  func.func @_tc_setup_body(%arg0: i32, %arg1: memref<5120x128xf32, #tpu.memory_space<vmem>>, %arg2: memref<32x5120xf32, #tpu.memory_space<vmem>>, %arg3: memref<32x5120xf32, #tpu.memory_space<vmem>>, %arg4: memref<128x128xf32, #tpu.memory_space<vmem>>, %arg5: memref<5120x128xf32, #tpu.memory_space<vmem>>, %arg6: memref<5120x1xf32, #tpu.memory_space<vmem>>, %arg7: memref<5120x1xf32, #tpu.memory_space<vmem>>) attributes {dimension_semantics = [#tpu.dimension_semantics<arbitrary>], iteration_bounds = array<i64: 2>, scalar_prefetch = 0 : i64, scratch_operands = 0 : i64, tpu.core_type = #tpu.core_type<tc>, window_params = [{transform_indices = @transform_0, window_bounds = array<i64: 5120, 128>}, {transform_indices = @transform_1, window_bounds = array<i64: 32, 5120>}, {transform_indices = @transform_2, window_bounds = array<i64: 32, 5120>}, {pipeline_mode = #tpu.pipeline_mode<synchronous>, transform_indices = @transform_3, window_bounds = array<i64: 128, 128>}, {transform_indices = @transform_4, window_bounds = array<i64: 5120, 128>}, {transform_indices = @transform_5, window_bounds = array<i64: 5120, 1>}, {transform_indices = @transform_6, window_bounds = array<i64: 5120, 1>}]} {
    %get3A = arith.constant 0 : index
    %get3A_0 = arith.constant 0 : index
    %get3A_1 = vector.load %arg2[%get3A, %get3A_0] : memref<32x5120xf32, #tpu.memory_space<vmem>>, vector<32x5120xf32>
    %reduce_sum3A = arith.constant dense<0.000000e+00> : vector<5120xf32>
    %reduce_sum3A_2 = vector.multi_reduction <add>, %get3A_1, %reduce_sum3A [0] : vector<32x5120xf32> to vector<5120xf32>
    %broadcast_in_dim3A = vector.shape_cast %reduce_sum3A_2 : vector<5120xf32> to vector<5120x1xf32>
    %add3A = arith.constant 1.000000e+00 : f32
    %add3A_3 = vector.broadcast %add3A : f32 to vector<5120x1xf32>
    %add3A_4 = arith.addf %broadcast_in_dim3A, %add3A_3 : vector<5120x1xf32>
    %get3A_5 = arith.constant 0 : index
    %get3A_6 = arith.constant 0 : index
    %get3A_7 = vector.load %arg3[%get3A_5, %get3A_6] : memref<32x5120xf32, #tpu.memory_space<vmem>>, vector<32x5120xf32>
    %reduce_sum3A_8 = arith.constant dense<0.000000e+00> : vector<5120xf32>
    %reduce_sum3A_9 = vector.multi_reduction <add>, %get3A_7, %reduce_sum3A_8 [0] : vector<32x5120xf32> to vector<5120xf32>
    %broadcast_in_dim3A_10 = vector.shape_cast %reduce_sum3A_9 : vector<5120xf32> to vector<5120x1xf32>
    %add3A_11 = arith.constant 1.000000e+00 : f32
    %add3A_12 = vector.broadcast %add3A_11 : f32 to vector<5120x1xf32>
    %add3A_13 = arith.addf %broadcast_in_dim3A_10, %add3A_12 : vector<5120x1xf32>
    %rsqrt3A = math.rsqrt %add3A_4 : vector<5120x1xf32>
    %rsqrt3A_14 = math.rsqrt %add3A_13 : vector<5120x1xf32>
    %swap3A = arith.constant 0 : index
    %swap3A_15 = arith.constant 0 : index
    %swap3A_16 = vector.load %arg6[%swap3A, %swap3A_15] : memref<5120x1xf32, #tpu.memory_space<vmem>>, vector<5120x1xf32>
    tpu.vector_store %arg6[%swap3A, %swap3A_15], %rsqrt3A {strides = array<i32>} : memref<5120x1xf32, #tpu.memory_space<vmem>>, vector<5120x1xf32>,
    %swap3A_17 = arith.constant 0 : index
    %swap3A_18 = arith.constant 0 : index
    %swap3A_19 = vector.load %arg7[%swap3A_17, %swap3A_18] : memref<5120x1xf32, #tpu.memory_space<vmem>>, vector<5120x1xf32>
    tpu.vector_store %arg7[%swap3A_17, %swap3A_18], %rsqrt3A_14 {strides = array<i32>} : memref<5120x1xf32, #tpu.memory_space<vmem>>, vector<5120x1xf32>,
    %get3A_20 = arith.constant 0 : index
    %get3A_21 = arith.constant 0 : index
    %get3A_22 = vector.load %arg1[%get3A_20, %get3A_21] : memref<5120x128xf32, #tpu.memory_space<vmem>>, vector<5120x128xf32>
    %mul3A = vector.broadcast %rsqrt3A : vector<5120x1xf32> to vector<5120x128xf32>
    %mul3A_23 = arith.mulf %get3A_22, %mul3A : vector<5120x128xf32>
    %get3A_24 = arith.constant 0 : index
    %get3A_25 = arith.constant 0 : index
    %get3A_26 = vector.load %arg4[%get3A_24, %get3A_25] : memref<128x128xf32, #tpu.memory_space<vmem>>, vector<128x128xf32>
    %dot_general3A = arith.constant dense<0.000000e+00> : vector<5120x128xf32>
    %dot_general3A_27 = tpu.matmul %mul3A_23, %get3A_26, %dot_general3A {dimension_numbers = #tpu.dot_dimension_numbers<[1], [0], [0], [1], [0, 0, 1, 1], [], []>, transpose_lhs_hint = false} : vector<5120x128xf32>, vector<128x128xf32>, vector<5120x128xf32> -> vector<5120x128xf32>
    %swap3A_28 = arith.constant 0 : index
    %swap3A_29 = arith.constant 0 : index
    %swap3A_30 = vector.load %arg5[%swap3A_28, %swap3A_29] : memref<5120x128xf32, #tpu.memory_space<vmem>>, vector<5120x128xf32>
    tpu.vector_store %arg5[%swap3A_28, %swap3A_29], %dot_general3A_27 {strides = array<i32>} : memref<5120x128xf32, #tpu.memory_space<vmem>>, vector<5120x128xf32>,
    return
  }
  func.func @transform_0(%arg0: i32) -> (i32, i32) {
    %c0_i32 = arith.constant 0 : i32
    %c0_i32_0 = arith.constant 0 : i32
    return %arg0, %c0_i32 : i32, i32
  }
  func.func @transform_1(%arg0: i32) -> (i32, i32) {
    %c0_i32 = arith.constant 0 : i32
    %c0_i32_0 = arith.constant 0 : i32
    return %c0_i32, %arg0 : i32, i32
  }
  func.func @transform_2(%arg0: i32) -> (i32, i32) {
    %c0_i32 = arith.constant 0 : i32
    %c0_i32_0 = arith.constant 0 : i32
    return %c0_i32, %arg0 : i32, i32
  }
  func.func @transform_3(%arg0: i32) -> (i32, i32) {
    %c0_i32 = arith.constant 0 : i32
    %c0_i32_0 = arith.constant 0 : i32
    %c0_i32_1 = arith.constant 0 : i32
    return %c0_i32, %c0_i32_0 : i32, i32
  }
  func.func @transform_4(%arg0: i32) -> (i32, i32) {
    %c0_i32 = arith.constant 0 : i32
    %c0_i32_0 = arith.constant 0 : i32
    return %arg0, %c0_i32 : i32, i32
  }
  func.func @transform_5(%arg0: i32) -> (i32, i32) {
    %c0_i32 = arith.constant 0 : i32
    %c0_i32_0 = arith.constant 0 : i32
    return %arg0, %c0_i32 : i32, i32
  }
  func.func @transform_6(%arg0: i32) -> (i32, i32) {
    %c0_i32 = arith.constant 0 : i32
    %c0_i32_0 = arith.constant 0 : i32
    return %arg0, %c0_i32 : i32, i32
  }
}

module attributes {stable_mosaic.version = 14 : i64} {
  func.func @_tc_post_body(%arg0: i32, %arg1: memref<2x5120x128xf32, #tpu.memory_space<vmem>>, %arg2: memref<5120x128xf32, #tpu.memory_space<vmem>>, %arg3: memref<5120x128xf32, #tpu.memory_space<vmem>>, %arg4: memref<5120x1xf32, #tpu.memory_space<vmem>>, %arg5: memref<5120x1xf32, #tpu.memory_space<vmem>>, %arg6: memref<1x128xf32, #tpu.memory_space<vmem>>, %arg7: memref<128x128xf32, #tpu.memory_space<vmem>>, %arg8: memref<128x128xf32, #tpu.memory_space<vmem>>, %arg9: memref<1x128xf32, #tpu.memory_space<vmem>>, %arg10: memref<128x128xf32, #tpu.memory_space<vmem>>, %arg11: memref<5120x128xf32, #tpu.memory_space<vmem>>, %arg12: memref<5120x128xf32, #tpu.memory_space<vmem>>) attributes {dimension_semantics = [#tpu.dimension_semantics<arbitrary>], iteration_bounds = array<i64: 2>, scalar_prefetch = 0 : i64, scratch_operands = 0 : i64, tpu.core_type = #tpu.core_type<tc>, window_params = [{transform_indices = @transform_0, window_bounds = array<i64: 2, 5120, 128>}, {transform_indices = @transform_1, window_bounds = array<i64: 5120, 128>}, {transform_indices = @transform_2, window_bounds = array<i64: 5120, 128>}, {transform_indices = @transform_3, window_bounds = array<i64: 5120, 1>}, {transform_indices = @transform_4, window_bounds = array<i64: 5120, 1>}, {pipeline_mode = #tpu.pipeline_mode<synchronous>, transform_indices = @transform_5, window_bounds = array<i64: 1, 128>}, {pipeline_mode = #tpu.pipeline_mode<synchronous>, transform_indices = @transform_6, window_bounds = array<i64: 128, 128>}, {pipeline_mode = #tpu.pipeline_mode<synchronous>, transform_indices = @transform_7, window_bounds = array<i64: 128, 128>}, {pipeline_mode = #tpu.pipeline_mode<synchronous>, transform_indices = @transform_8, window_bounds = array<i64: 1, 128>}, {pipeline_mode = #tpu.pipeline_mode<synchronous>, transform_indices = @transform_9, window_bounds = array<i64: 128, 128>}, {transform_indices = @transform_10, window_bounds = array<i64: 5120, 128>}, {transform_indices = @transform_11, window_bounds = array<i64: 5120, 128>}]} {
    %get3A = arith.constant 0 : index
    %get3A_0 = arith.constant 0 : index
    %get3A_1 = arith.constant 0 : index
    %get3A_2 = vector.load %arg1[%get3A, %get3A_0, %get3A_1] : memref<2x5120x128xf32, #tpu.memory_space<vmem>>, vector<1x5120x128xf32>
    %get3A_3 = vector.shape_cast %get3A_2 : vector<1x5120x128xf32> to vector<5120x128xf32>
    %get3A_4 = arith.constant 1 : index
    %get3A_5 = arith.constant 0 : index
    %get3A_6 = arith.constant 0 : index
    %get3A_7 = vector.load %arg1[%get3A_4, %get3A_5, %get3A_6] : memref<2x5120x128xf32, #tpu.memory_space<vmem>>, vector<1x5120x128xf32>
    %get3A_8 = vector.shape_cast %get3A_7 : vector<1x5120x128xf32> to vector<5120x128xf32>
    %add3A = arith.addf %get3A_3, %get3A_8 : vector<5120x128xf32>
    %get3A_9 = arith.constant 0 : index
    %get3A_10 = arith.constant 0 : index
    %get3A_11 = vector.load %arg2[%get3A_9, %get3A_10] : memref<5120x128xf32, #tpu.memory_space<vmem>>, vector<5120x128xf32>
    %add3A_12 = arith.addf %add3A, %get3A_11 : vector<5120x128xf32>
    %get3A_13 = arith.constant 0 : index
    %get3A_14 = arith.constant 0 : index
    %get3A_15 = vector.load %arg4[%get3A_13, %get3A_14] : memref<5120x1xf32, #tpu.memory_space<vmem>>, vector<5120x1xf32>
    %mul3A = vector.broadcast %get3A_15 : vector<5120x1xf32> to vector<5120x128xf32>
    %mul3A_16 = arith.mulf %add3A_12, %mul3A : vector<5120x128xf32>
    %get3A_17 = arith.constant 0 : index
    %get3A_18 = arith.constant 0 : index
    %get3A_19 = vector.load %arg6[%get3A_17, %get3A_18] : memref<1x128xf32, #tpu.memory_space<vmem>>, vector<1x128xf32>
    %add3A_20 = vector.broadcast %get3A_19 : vector<1x128xf32> to vector<5120x128xf32>
    %add3A_21 = arith.addf %mul3A_16, %add3A_20 : vector<5120x128xf32>
    %gt3A = arith.constant 0.000000e+00 : f32
    %gt3A_22 = vector.broadcast %gt3A : f32 to vector<5120x128xf32>
    %gt3A_23 = arith.cmpf ogt, %add3A_21, %gt3A_22 : vector<5120x128xf32>
    %mul3A_24 = arith.constant 0.00999999977 : f32
    %mul3A_25 = vector.broadcast %mul3A_24 : f32 to vector<5120x128xf32>
    %mul3A_26 = arith.mulf %mul3A_25, %add3A_21 : vector<5120x128xf32>
    %select_n3A = arith.select %gt3A_23, %add3A_21, %mul3A_26 : vector<5120x128xi1>, vector<5120x128xf32>
    %get3A_27 = arith.constant 0 : index
    %get3A_28 = arith.constant 0 : index
    %get3A_29 = vector.load %arg3[%get3A_27, %get3A_28] : memref<5120x128xf32, #tpu.memory_space<vmem>>, vector<5120x128xf32>
    %get3A_30 = arith.constant 0 : index
    %get3A_31 = arith.constant 0 : index
    %get3A_32 = vector.load %arg7[%get3A_30, %get3A_31] : memref<128x128xf32, #tpu.memory_space<vmem>>, vector<128x128xf32>
    %get3A_33 = arith.constant 0 : index
    %get3A_34 = arith.constant 0 : index
    %get3A_35 = vector.load %arg8[%get3A_33, %get3A_34] : memref<128x128xf32, #tpu.memory_space<vmem>>, vector<128x128xf32>
    %get3A_36 = arith.constant 0 : index
    %get3A_37 = arith.constant 0 : index
    %get3A_38 = vector.load %arg9[%get3A_36, %get3A_37] : memref<1x128xf32, #tpu.memory_space<vmem>>, vector<1x128xf32>
    %dot_general3A = arith.constant dense<0.000000e+00> : vector<5120x128xf32>
    %dot_general3A_39 = tpu.matmul %get3A_29, %get3A_32, %dot_general3A {dimension_numbers = #tpu.dot_dimension_numbers<[1], [0], [0], [1], [0, 0, 1, 1], [], []>, transpose_lhs_hint = false} : vector<5120x128xf32>, vector<128x128xf32>, vector<5120x128xf32> -> vector<5120x128xf32>
    %dot_general3A_40 = arith.constant dense<0.000000e+00> : vector<5120x128xf32>
    %dot_general3A_41 = tpu.matmul %select_n3A, %get3A_35, %dot_general3A_40 {dimension_numbers = #tpu.dot_dimension_numbers<[1], [0], [0], [1], [0, 0, 1, 1], [], []>, transpose_lhs_hint = false} : vector<5120x128xf32>, vector<128x128xf32>, vector<5120x128xf32> -> vector<5120x128xf32>
    %add3A_42 = arith.addf %dot_general3A_39, %dot_general3A_41 : vector<5120x128xf32>
    %add3A_43 = vector.broadcast %get3A_38 : vector<1x128xf32> to vector<5120x128xf32>
    %add3A_44 = arith.addf %add3A_42, %add3A_43 : vector<5120x128xf32>
    %logistic3A = arith.negf %add3A_44 : vector<5120x128xf32>
    %logistic3A_45 = math.exp %logistic3A : vector<5120x128xf32>
    %logistic3A_46 = arith.constant 1.000000e+00 : f32
    %logistic3A_47 = vector.broadcast %logistic3A_46 : f32 to vector<5120x128xf32>
    %logistic3A_48 = arith.addf %logistic3A_47, %logistic3A_45 : vector<5120x128xf32>
    %logistic3A_49 = arith.divf %logistic3A_47, %logistic3A_48 : vector<5120x128xf32>
    %mul3A_50 = arith.mulf %get3A_29, %logistic3A_49 : vector<5120x128xf32>
    %sub3A = arith.constant 1.000000e+00 : f32
    %sub3A_51 = vector.broadcast %sub3A : f32 to vector<5120x128xf32>
    %sub3A_52 = arith.subf %sub3A_51, %logistic3A_49 : vector<5120x128xf32>
    %mul3A_53 = arith.mulf %select_n3A, %sub3A_52 : vector<5120x128xf32>
    %add3A_54 = arith.addf %mul3A_50, %mul3A_53 : vector<5120x128xf32>
    %swap3A = arith.constant 0 : index
    %swap3A_55 = arith.constant 0 : index
    %swap3A_56 = vector.load %arg11[%swap3A, %swap3A_55] : memref<5120x128xf32, #tpu.memory_space<vmem>>, vector<5120x128xf32>
    tpu.vector_store %arg11[%swap3A, %swap3A_55], %add3A_54 {strides = array<i32>} : memref<5120x128xf32, #tpu.memory_space<vmem>>, vector<5120x128xf32>,
    %get3A_57 = arith.constant 0 : index
    %get3A_58 = arith.constant 0 : index
    %get3A_59 = vector.load %arg5[%get3A_57, %get3A_58] : memref<5120x1xf32, #tpu.memory_space<vmem>>, vector<5120x1xf32>
    %mul3A_60 = vector.broadcast %get3A_59 : vector<5120x1xf32> to vector<5120x128xf32>
    %mul3A_61 = arith.mulf %add3A_54, %mul3A_60 : vector<5120x128xf32>
    %get3A_62 = arith.constant 0 : index
    %get3A_63 = arith.constant 0 : index
    %get3A_64 = vector.load %arg10[%get3A_62, %get3A_63] : memref<128x128xf32, #tpu.memory_space<vmem>>, vector<128x128xf32>
    %dot_general3A_65 = arith.constant dense<0.000000e+00> : vector<5120x128xf32>
    %dot_general3A_66 = tpu.matmul %mul3A_61, %get3A_64, %dot_general3A_65 {dimension_numbers = #tpu.dot_dimension_numbers<[1], [0], [0], [1], [0, 0, 1, 1], [], []>, transpose_lhs_hint = false} : vector<5120x128xf32>, vector<128x128xf32>, vector<5120x128xf32> -> vector<5120x128xf32>
    %swap3A_67 = arith.constant 0 : index
    %swap3A_68 = arith.constant 0 : index
    %swap3A_69 = vector.load %arg12[%swap3A_67, %swap3A_68] : memref<5120x128xf32, #tpu.memory_space<vmem>>, vector<5120x128xf32>
    tpu.vector_store %arg12[%swap3A_67, %swap3A_68], %dot_general3A_66 {strides = array<i32>} : memref<5120x128xf32, #tpu.memory_space<vmem>>, vector<5120x128xf32>,
    return
  }
  func.func @transform_0(%arg0: i32) -> (i32, i32, i32) {
    %c0_i32 = arith.constant 0 : i32
    %c0_i32_0 = arith.constant 0 : i32
    %c0_i32_1 = arith.constant 0 : i32
    return %c0_i32, %arg0, %c0_i32_0 : i32, i32, i32
  }
  func.func @transform_1(%arg0: i32) -> (i32, i32) {
    %c0_i32 = arith.constant 0 : i32
    %c0_i32_0 = arith.constant 0 : i32
    return %arg0, %c0_i32 : i32, i32
  }
  func.func @transform_2(%arg0: i32) -> (i32, i32) {
    %c0_i32 = arith.constant 0 : i32
    %c0_i32_0 = arith.constant 0 : i32
    return %arg0, %c0_i32 : i32, i32
  }
  func.func @transform_3(%arg0: i32) -> (i32, i32) {
    %c0_i32 = arith.constant 0 : i32
    %c0_i32_0 = arith.constant 0 : i32
    return %arg0, %c0_i32 : i32, i32
  }
  func.func @transform_4(%arg0: i32) -> (i32, i32) {
    %c0_i32 = arith.constant 0 : i32
    %c0_i32_0 = arith.constant 0 : i32
    return %arg0, %c0_i32 : i32, i32
  }
  func.func @transform_5(%arg0: i32) -> (i32, i32) {
    %c0_i32 = arith.constant 0 : i32
    %c0_i32_0 = arith.constant 0 : i32
    %c0_i32_1 = arith.constant 0 : i32
    return %c0_i32, %c0_i32_0 : i32, i32
  }
  func.func @transform_6(%arg0: i32) -> (i32, i32) {
    %c0_i32 = arith.constant 0 : i32
    %c0_i32_0 = arith.constant 0 : i32
    %c0_i32_1 = arith.constant 0 : i32
    return %c0_i32, %c0_i32_0 : i32, i32
  }
  func.func @transform_7(%arg0: i32) -> (i32, i32) {
    %c0_i32 = arith.constant 0 : i32
    %c0_i32_0 = arith.constant 0 : i32
    %c0_i32_1 = arith.constant 0 : i32
    return %c0_i32, %c0_i32_0 : i32, i32
  }
  func.func @transform_8(%arg0: i32) -> (i32, i32) {
    %c0_i32 = arith.constant 0 : i32
    %c0_i32_0 = arith.constant 0 : i32
    %c0_i32_1 = arith.constant 0 : i32
    return %c0_i32, %c0_i32_0 : i32, i32
  }
  func.func @transform_9(%arg0: i32) -> (i32, i32) {
    %c0_i32 = arith.constant 0 : i32
    %c0_i32_0 = arith.constant 0 : i32
    %c0_i32_1 = arith.constant 0 : i32
    return %c0_i32, %c0_i32_0 : i32, i32
  }
  func.func @transform_10(%arg0: i32) -> (i32, i32) {
    %c0_i32 = arith.constant 0 : i32
    %c0_i32_0 = arith.constant 0 : i32
    return %arg0, %c0_i32 : i32, i32
  }
  func.func @transform_11(%arg0: i32) -> (i32, i32) {
    %c0_i32 = arith.constant 0 : i32
    %c0_i32_0 = arith.constant 0 : i32
    return %arg0, %c0_i32 : i32, i32
  }
}

module attributes {stable_mosaic.version = 14 : i64} {
  func.func @_tc_post_final_body(%arg0: i32, %arg1: memref<2x5120x128xf32, #tpu.memory_space<vmem>>, %arg2: memref<5120x128xf32, #tpu.memory_space<vmem>>, %arg3: memref<5120x128xf32, #tpu.memory_space<vmem>>, %arg4: memref<5120x1xf32, #tpu.memory_space<vmem>>, %arg5: memref<1x128xf32, #tpu.memory_space<vmem>>, %arg6: memref<128x128xf32, #tpu.memory_space<vmem>>, %arg7: memref<128x128xf32, #tpu.memory_space<vmem>>, %arg8: memref<1x128xf32, #tpu.memory_space<vmem>>, %arg9: memref<5120x128xf32, #tpu.memory_space<vmem>>) attributes {dimension_semantics = [#tpu.dimension_semantics<arbitrary>], iteration_bounds = array<i64: 2>, scalar_prefetch = 0 : i64, scratch_operands = 0 : i64, tpu.core_type = #tpu.core_type<tc>, window_params = [{transform_indices = @transform_0, window_bounds = array<i64: 2, 5120, 128>}, {transform_indices = @transform_1, window_bounds = array<i64: 5120, 128>}, {transform_indices = @transform_2, window_bounds = array<i64: 5120, 128>}, {transform_indices = @transform_3, window_bounds = array<i64: 5120, 1>}, {pipeline_mode = #tpu.pipeline_mode<synchronous>, transform_indices = @transform_4, window_bounds = array<i64: 1, 128>}, {pipeline_mode = #tpu.pipeline_mode<synchronous>, transform_indices = @transform_5, window_bounds = array<i64: 128, 128>}, {pipeline_mode = #tpu.pipeline_mode<synchronous>, transform_indices = @transform_6, window_bounds = array<i64: 128, 128>}, {pipeline_mode = #tpu.pipeline_mode<synchronous>, transform_indices = @transform_7, window_bounds = array<i64: 1, 128>}, {transform_indices = @transform_8, window_bounds = array<i64: 5120, 128>}]} {
    %get3A = arith.constant 0 : index
    %get3A_0 = arith.constant 0 : index
    %get3A_1 = arith.constant 0 : index
    %get3A_2 = vector.load %arg1[%get3A, %get3A_0, %get3A_1] : memref<2x5120x128xf32, #tpu.memory_space<vmem>>, vector<1x5120x128xf32>
    %get3A_3 = vector.shape_cast %get3A_2 : vector<1x5120x128xf32> to vector<5120x128xf32>
    %get3A_4 = arith.constant 1 : index
    %get3A_5 = arith.constant 0 : index
    %get3A_6 = arith.constant 0 : index
    %get3A_7 = vector.load %arg1[%get3A_4, %get3A_5, %get3A_6] : memref<2x5120x128xf32, #tpu.memory_space<vmem>>, vector<1x5120x128xf32>
    %get3A_8 = vector.shape_cast %get3A_7 : vector<1x5120x128xf32> to vector<5120x128xf32>
    %add3A = arith.addf %get3A_3, %get3A_8 : vector<5120x128xf32>
    %get3A_9 = arith.constant 0 : index
    %get3A_10 = arith.constant 0 : index
    %get3A_11 = vector.load %arg2[%get3A_9, %get3A_10] : memref<5120x128xf32, #tpu.memory_space<vmem>>, vector<5120x128xf32>
    %add3A_12 = arith.addf %add3A, %get3A_11 : vector<5120x128xf32>
    %get3A_13 = arith.constant 0 : index
    %get3A_14 = arith.constant 0 : index
    %get3A_15 = vector.load %arg4[%get3A_13, %get3A_14] : memref<5120x1xf32, #tpu.memory_space<vmem>>, vector<5120x1xf32>
    %mul3A = vector.broadcast %get3A_15 : vector<5120x1xf32> to vector<5120x128xf32>
    %mul3A_16 = arith.mulf %add3A_12, %mul3A : vector<5120x128xf32>
    %get3A_17 = arith.constant 0 : index
    %get3A_18 = arith.constant 0 : index
    %get3A_19 = vector.load %arg5[%get3A_17, %get3A_18] : memref<1x128xf32, #tpu.memory_space<vmem>>, vector<1x128xf32>
    %add3A_20 = vector.broadcast %get3A_19 : vector<1x128xf32> to vector<5120x128xf32>
    %add3A_21 = arith.addf %mul3A_16, %add3A_20 : vector<5120x128xf32>
    %gt3A = arith.constant 0.000000e+00 : f32
    %gt3A_22 = vector.broadcast %gt3A : f32 to vector<5120x128xf32>
    %gt3A_23 = arith.cmpf ogt, %add3A_21, %gt3A_22 : vector<5120x128xf32>
    %mul3A_24 = arith.constant 0.00999999977 : f32
    %mul3A_25 = vector.broadcast %mul3A_24 : f32 to vector<5120x128xf32>
    %mul3A_26 = arith.mulf %mul3A_25, %add3A_21 : vector<5120x128xf32>
    %select_n3A = arith.select %gt3A_23, %add3A_21, %mul3A_26 : vector<5120x128xi1>, vector<5120x128xf32>
    %get3A_27 = arith.constant 0 : index
    %get3A_28 = arith.constant 0 : index
    %get3A_29 = vector.load %arg3[%get3A_27, %get3A_28] : memref<5120x128xf32, #tpu.memory_space<vmem>>, vector<5120x128xf32>
    %get3A_30 = arith.constant 0 : index
    %get3A_31 = arith.constant 0 : index
    %get3A_32 = vector.load %arg6[%get3A_30, %get3A_31] : memref<128x128xf32, #tpu.memory_space<vmem>>, vector<128x128xf32>
    %get3A_33 = arith.constant 0 : index
    %get3A_34 = arith.constant 0 : index
    %get3A_35 = vector.load %arg7[%get3A_33, %get3A_34] : memref<128x128xf32, #tpu.memory_space<vmem>>, vector<128x128xf32>
    %get3A_36 = arith.constant 0 : index
    %get3A_37 = arith.constant 0 : index
    %get3A_38 = vector.load %arg8[%get3A_36, %get3A_37] : memref<1x128xf32, #tpu.memory_space<vmem>>, vector<1x128xf32>
    %dot_general3A = arith.constant dense<0.000000e+00> : vector<5120x128xf32>
    %dot_general3A_39 = tpu.matmul %get3A_29, %get3A_32, %dot_general3A {dimension_numbers = #tpu.dot_dimension_numbers<[1], [0], [0], [1], [0, 0, 1, 1], [], []>, transpose_lhs_hint = false} : vector<5120x128xf32>, vector<128x128xf32>, vector<5120x128xf32> -> vector<5120x128xf32>
    %dot_general3A_40 = arith.constant dense<0.000000e+00> : vector<5120x128xf32>
    %dot_general3A_41 = tpu.matmul %select_n3A, %get3A_35, %dot_general3A_40 {dimension_numbers = #tpu.dot_dimension_numbers<[1], [0], [0], [1], [0, 0, 1, 1], [], []>, transpose_lhs_hint = false} : vector<5120x128xf32>, vector<128x128xf32>, vector<5120x128xf32> -> vector<5120x128xf32>
    %add3A_42 = arith.addf %dot_general3A_39, %dot_general3A_41 : vector<5120x128xf32>
    %add3A_43 = vector.broadcast %get3A_38 : vector<1x128xf32> to vector<5120x128xf32>
    %add3A_44 = arith.addf %add3A_42, %add3A_43 : vector<5120x128xf32>
    %logistic3A = arith.negf %add3A_44 : vector<5120x128xf32>
    %logistic3A_45 = math.exp %logistic3A : vector<5120x128xf32>
    %logistic3A_46 = arith.constant 1.000000e+00 : f32
    %logistic3A_47 = vector.broadcast %logistic3A_46 : f32 to vector<5120x128xf32>
    %logistic3A_48 = arith.addf %logistic3A_47, %logistic3A_45 : vector<5120x128xf32>
    %logistic3A_49 = arith.divf %logistic3A_47, %logistic3A_48 : vector<5120x128xf32>
    %mul3A_50 = arith.mulf %get3A_29, %logistic3A_49 : vector<5120x128xf32>
    %sub3A = arith.constant 1.000000e+00 : f32
    %sub3A_51 = vector.broadcast %sub3A : f32 to vector<5120x128xf32>
    %sub3A_52 = arith.subf %sub3A_51, %logistic3A_49 : vector<5120x128xf32>
    %mul3A_53 = arith.mulf %select_n3A, %sub3A_52 : vector<5120x128xf32>
    %add3A_54 = arith.addf %mul3A_50, %mul3A_53 : vector<5120x128xf32>
    %swap3A = arith.constant 0 : index
    %swap3A_55 = arith.constant 0 : index
    %swap3A_56 = vector.load %arg9[%swap3A, %swap3A_55] : memref<5120x128xf32, #tpu.memory_space<vmem>>, vector<5120x128xf32>
    tpu.vector_store %arg9[%swap3A, %swap3A_55], %add3A_54 {strides = array<i32>} : memref<5120x128xf32, #tpu.memory_space<vmem>>, vector<5120x128xf32>,
    return
  }
  func.func @transform_0(%arg0: i32) -> (i32, i32, i32) {
    %c0_i32 = arith.constant 0 : i32
    %c0_i32_0 = arith.constant 0 : i32
    %c0_i32_1 = arith.constant 0 : i32
    return %c0_i32, %arg0, %c0_i32_0 : i32, i32, i32
  }
  func.func @transform_1(%arg0: i32) -> (i32, i32) {
    %c0_i32 = arith.constant 0 : i32
    %c0_i32_0 = arith.constant 0 : i32
    return %arg0, %c0_i32 : i32, i32
  }
  func.func @transform_2(%arg0: i32) -> (i32, i32) {
    %c0_i32 = arith.constant 0 : i32
    %c0_i32_0 = arith.constant 0 : i32
    return %arg0, %c0_i32 : i32, i32
  }
  func.func @transform_3(%arg0: i32) -> (i32, i32) {
    %c0_i32 = arith.constant 0 : i32
    %c0_i32_0 = arith.constant 0 : i32
    return %arg0, %c0_i32 : i32, i32
  }
  func.func @transform_4(%arg0: i32) -> (i32, i32) {
    %c0_i32 = arith.constant 0 : i32
    %c0_i32_0 = arith.constant 0 : i32
    %c0_i32_1 = arith.constant 0 : i32
    return %c0_i32, %c0_i32_0 : i32, i32
  }
  func.func @transform_5(%arg0: i32) -> (i32, i32) {
    %c0_i32 = arith.constant 0 : i32
    %c0_i32_0 = arith.constant 0 : i32
    %c0_i32_1 = arith.constant 0 : i32
    return %c0_i32, %c0_i32_0 : i32, i32
  }
  func.func @transform_6(%arg0: i32) -> (i32, i32) {
    %c0_i32 = arith.constant 0 : i32
    %c0_i32_0 = arith.constant 0 : i32
    %c0_i32_1 = arith.constant 0 : i32
    return %c0_i32, %c0_i32_0 : i32, i32
  }
  func.func @transform_7(%arg0: i32) -> (i32, i32) {
    %c0_i32 = arith.constant 0 : i32
    %c0_i32_0 = arith.constant 0 : i32
    %c0_i32_1 = arith.constant 0 : i32
    return %c0_i32, %c0_i32_0 : i32, i32
  }
  func.func @transform_8(%arg0: i32) -> (i32, i32) {
    %c0_i32 = arith.constant 0 : i32
    %c0_i32_0 = arith.constant 0 : i32
    return %arg0, %c0_i32 : i32, i32
  }
}

</mosaic_0001>

<sc_bundles>
// kernel: kernel.10.cloned.1.call-start
scs
__scs_entry_jumppad:
0x0: {  	(pc) =	sbr.rel $0x88, $3  }
0x1: {  	(tag) =	ssettag $0x0;
	lr =	simm.s32 $0x1  }
0x2: {  	[smem:$0x3F96] =	sst lr;
	_ =	strace $0xD0000000  }
0x3: {  	_ = 	snop  }
0x4: {  	_ = 	snop  }
0x5: {  	_ = 	snop  }
0x6: {  	_ = 	snop  }
0x7: {  	_ = 	snop  }
__scs_overlays_trampoline_lowered:
0x8: {  	[smem:$0x3FA5] =	sst s0  }
0x9: {  	[smem:$0x3FA6] =	sst s1  }
0xa: {  	[smem:$0x3FA7] =	sst s2  }
0xb: {  	[smem:$0x3FA8] =	sst s3  }
0xc: {  	[smem:$0x3FA9] =	sst s4  }
0xd: {  	[smem:$0x3FAA] =	sst s5  }
0xe: {  	[smem:$0x3FAB] =	sst s6  }
0xf: {  	[smem:$0x3FAC] =	sst s7  }
0x10: {  	[smem:$0x3FAD] =	sst s8  }
0x11: {  	[smem:$0x3FAE] =	sst s9;
	s0 =	simm.s32 @!p0 $0x0  }
0x12: {  	s1 =	sld [smem:$0x3F94];
	s0 =	simm.s32 @p0 $0x1  }
0x13: {  	[smem:$0x3FAF] =	sst s0;
	s0 =	simm.s32 @!p1 $0x0  }
0x14: {  	s2 =	sld [smem:$0x3F93];
	s0 =	simm.s32 @p1 $0x1  }
0x15: {  	[smem:$0x3FB0] =	sst s0;
	s0 =	simm.s32 @!p2 $0x0  }
0x16: {  	s3 =	sld [smem:$0x3FDB];
	s0 =	simm.s32 @p2 $0x1  }
0x17: {  	s4 =	simm.s32 $0x1BF5;
	[smem:$0x3FB2] =	sst s0  }
0x18: {  	s0 =	sld [smem:$0x3F95];
	_ =	swait.ge [sflag:s4], $0x0  }
0x19: {  	s7 =	sld [smem:$0x3F96]  }
0x1a: {  	s8 =	sadd.s32 $0xFFFFE003, lr  }
0x1b: {  	s9 =	sadd.s32 $0xFFFFFEF7, lr;
	s5 =	simm.s32 $0xFFFFFFFF;
	p2 =	slt.u32 s8, $0xFFFFF086  }
0x1c: {  	p1 =	slt.u32 s9, $0xF7A;
	s5 =	simm.s32 @!p2 $0x0  }
0x1d: {  	s5 =	simm.s32 @p1 $0x1;
	p0 =	seq.s32 s7, s2  }
0x1e: {  	s7 =	smul.u32 @!p0 $0xF7A, s2;
	p2 =	seq.s32 @!p0 s5, $0x0  }
0x1f: {  	s9 =	smul.u32 $0xF7A, s1;
	s8 =	simm.s32 @!p0 $0x1BF5;
	p2 =	por !p2, p0  }
0x20: {  	[sflag:s8] =	ssyncset.s32 @!p0 $0xFFFFF086;
	s6 =	sadd.s32 @!p0 s3, s7;
	s7 =	simm.s32 @!p0 $0x108  }
0x21: {  	s3 =	sadd.s32 s3, s9;
	s6 =	sadd.s32 @!p0 $0x88, s6;
	s7 =	simm.s32 @p2 $0x1082  }
0x22: {  	[simem:s7], [sflag:s8] =	dma.local @!p0 [hbm:s6], $0xF7A  }
0x23: {  	s9 =	sor.u32 $0xD0000000, s2;
	s6 =	simm.s32 $0x108;
	_ =	swait.ge @!p0 [sflag:s8], $0x0  }
0x24: {  	s3 =	sadd.s32 $0x88, s3;
	s6 =	simm.s32 @!p1 $0x1082;
	[sflag:s4] =	ssyncset.s32 $0xFFFFF086  }
0x25: {  	[simem:s6], [sflag:s4] =	dma.local [hbm:s3], $0xF7A  }
0x26: {  	[smem:$0x3F96] =	sst s1;
	(tag) =	ssettag s2;
	_ =	strace s9  }
0x27: {  	s1 =	sld [smem:$0x3FA6]  }
0x28: {  	s2 =	sld [smem:$0x3FA7]  }
0x29: {  	s4 =	sld [smem:$0x3FA9]  }
0x2a: {  	p0 =	seq.s32 s5, $0x0;
	s5 =	sld [smem:$0x3FAA]  }
0x2b: {  	s6 =	sld [smem:$0x3FAB]  }
0x2c: {  	s7 =	sld [smem:$0x3FAC]  }
0x2d: {  	s3 =	simm.s32 $0x108;
	s8 =	sld [smem:$0x3FAD]  }
0x2e: {  	s3 =	simm.s32 @!p0 $0x1082;
	s9 =	sld [smem:$0x3FAE]  }
0x2f: {  	lr =	sadd.s32 s0, s3;
	s0 =	sld [smem:$0x3FA5]  }
0x30: {  	s3 =	sld [smem:$0x3FA8]  }
0x31: {  	[smem:$0x3FB1] =	sst s10  }
0x32: {  	s10 =	sld [smem:$0x3FAF];
	_ =	sdelay $0x3  }
0x33: {  	p0 =	seq.s32 s10, $0x1;
	s10 =	sld [smem:$0x3FB1];
	_ =	sdelay $0x3  }
0x34: {  	[smem:$0x3FB1] =	sst s10  }
0x35: {  	s10 =	sld [smem:$0x3FB0];
	_ =	sdelay $0x3  }
0x36: {  	p1 =	seq.s32 s10, $0x1;
	s10 =	sld [smem:$0x3FB1];
	_ =	sdelay $0x3  }
0x37: {  	[smem:$0x3FB1] =	sst s10  }
0x38: {  	s10 =	sld [smem:$0x3FB2]  }
0x39: {  	_ = 	snop;
	(pc) =	sbr.ind lr, $3  }
0x3a: {  	_ = 	snop  }
0x3b: {  	_ = 	snop  }
0x3c: {  	p2 =	seq.s32 s10, $0x1;
	s10 =	sld [smem:$0x3FB1]  }
0x3d: {  	_ =	shalt  }
0x3e: {  	_ =	shalt  }
0x3f: {  	_ =	shalt  }
0x40: {  	_ =	shalt  }
0x41: {  	_ =	shalt  }
0x42: {  	_ =	shalt  }
0x43: {  	_ =	shalt  }
0x44: {  	_ =	shalt  }
0x45: {  	_ =	shalt  }
0x46: {  	_ =	shalt  }
0x47: {  	_ =	shalt  }
0x48: {  	_ =	shalt  }
0x49: {  	_ =	shalt  }
0x4a: {  	_ =	shalt  }
0x4b: {  	_ =	shalt  }
0x4c: {  	_ =	shalt  }
0x4d: {  	_ =	shalt  }
0x4e: {  	_ =	shalt  }
0x4f: {  	_ =	shalt  }
0x50: {  	_ =	shalt  }
0x51: {  	_ =	shalt  }
0x52: {  	_ =	shalt  }
0x53: {  	_ =	shalt  }
0x54: {  	_ =	shalt  }
0x55: {  	_ =	shalt  }
0x56: {  	_ =	shalt  }
0x57: {  	_ =	shalt  }
0x58: {  	_ =	shalt  }
0x59: {  	_ =	shalt  }
0x5a: {  	_ =	shalt  }
0x5b: {  	_ =	shalt  }
0x5c: {  	_ =	shalt  }
0x5d: {  	_ =	shalt  }
0x5e: {  	_ =	shalt  }
0x5f: {  	_ =	shalt  }
0x60: {  	_ =	shalt  }
0x61: {  	_ =	shalt  }
0x62: {  	_ =	shalt  }
0x63: {  	_ =	shalt  }
0x64: {  	_ =	shalt  }
0x65: {  	_ =	shalt  }
0x66: {  	_ =	shalt  }
0x67: {  	_ =	shalt  }
0x68: {  	_ =	shalt  }
0x69: {  	_ =	shalt  }
0x6a: {  	_ =	shalt  }
0x6b: {  	_ =	shalt  }
0x6c: {  	_ =	shalt  }
0x6d: {  	_ =	shalt  }
0x6e: {  	_ =	shalt  }
0x6f: {  	_ =	shalt  }
0x70: {  	_ =	shalt  }
0x71: {  	_ =	shalt  }
0x72: {  	_ =	shalt  }
0x73: {  	_ =	shalt  }
0x74: {  	_ =	shalt  }
0x75: {  	_ =	shalt  }
0x76: {  	_ =	shalt  }
0x77: {  	_ =	shalt  }
0x78: {  	_ =	shalt  }
0x79: {  	_ =	shalt  }
0x7a: {  	_ =	shalt  }
0x7b: {  	_ =	shalt  }
0x7c: {  	_ =	shalt  }
0x7d: {  	_ =	shalt  }
0x7e: {  	_ =	shalt  }
0x7f: {  	_ =	shalt  }
0x80: {  	_ =	shalt  }
0x81: {  	_ =	shalt  }
0x82: {  	_ =	shalt  }
0x83: {  	_ =	shalt  }
0x84: {  	_ =	shalt  }
0x85: {  	_ =	shalt  }
0x86: {  	_ =	shalt  }
0x87: {  	_ =	shalt  }
.Lfunc_end0:
.L_simem_size_0:
called_computation_lowered:
.L_overlay_start_0:
0x88: {  	s2 =	sld [smem:$0x3FD9]  }
0x89: {  	s3 =	sld [smem:$0x3FFE];
	_ =	sdelay $0x1  }
0x8a: {  	s1 =	srdreg.scid  }
0x8b: {  	s0 =	sand.u32 $0x1, s1  }
0x8c: {  	s17 =	sshll.u32 s0, $0xA;
	s2 =	sadd.s32 s3, s2  }
0x8d: {  	s2 =	sadd.s32 s2, s17  }
0x8e: {  	[smem:$0x3FBD] =	sst s2  }
0x8f: {  	_ = 	snop  }
0x90: {  	s2 =	sld [smem:$0x3FD0];
	(tm) =	ssettm $0x1  }
0x91: {  	s18 =	sld [smem:$0x3FFB];
	_ =	sdelay $0x3  }
0x92: {  	_ =	strace s18  }
0x93: {  	s3 =	sld [smem:$0x3FFC];
	_ =	sdelay $0x3  }
0x94: {  	_ =	strace s3  }
0x95: {  	s3 =	sld [smem:$0x3FFD];
	_ =	sdelay $0x3  }
0x96: {  	_ =	strace s3  }
0x97: {  	_ =	strace $0x8FFFFFFF  }
0x98: {  	s19 =	sld [smem:$0x3FDB];
	_ =	sdelay $0x1  }
0x99: {  	s4 =	simm.s32 $_scs_section_size  }
0x9a: {  	s5 =	simm.s32 $_size__tile_overlayer_lowered;
	s6 =	simm.s32 $_tile_overlayer_lowered  }
0x9b: {  	s22 =	simm.s32 $0x1BFF;
	s21 =	sshll.u32 s6, $0x1;
	s3 =	sadd.s32 s4, s19  }
0x9c: {  	s7 =	simm.s32 $0x0;
	s20 =	sshll.u32 s5, $0x1;
	s5 =	sadd.s32 s21, s3  }
0x9d: {  	[timem:s7], [sflag:s22] =	dma.local [hbm:s5], s20  }
0x9e: {  	_ =	swait.ge [sflag:s22], s20  }
0x9f: {  	s4 =	ssub.s32 $0x0, s20;
	[sflag:s22] =	ssyncset.done $0x0  }
0xa0: {  	[sflag:s22] =	ssyncadd.s32 s4;
	_ =	sdelay $0x1  }
0xa1: {  	s23 =	simm.s32 $0x1B8B  }
0xa2: {  	_ =	swait.ge [sflag:s23], $0x1  }
0xa3: {  	[sflag:s23] =	ssyncset.done $0x0  }
0xa4: {  	s25 =	simm.s32 $0x1B8E;
	s24 =	sld [smem:$0x3FFE];
	[sflag:s23] =	ssyncadd.s32 $0xFFFFFFFF  }
0xa5: {  	s26 =	simm.s32 $execute0_lowered;
	[smem:$0x3FD2] =	sst s25  }
0xa6: {  	s5 =	sshll.u32 s26, $0x1;
	_ =	strace $0x80000046;
	[dreg:$0x1] =	wrdreg $0xFFFFFFFF  }
0xa7: {  	s28 =	simm.s32 $_size_execute0_lowered;
	s3 =	sadd.s32 s3, s5;
	[dreg:$0x0] =	wrdreg $0x0  }
0xa8: {  	s5 =	sshll.u32 s28, $0x1;
	[dreg:$0x2] =	wrdreg s3  }
0xa9: {  	[dreg:$0x3] =	wrdreg s5  }
0xaa: {  	[dreg:$0x4] =	wrdreg $0xC0  }
0xab: {  	_ =	task [dreg:s7], $0x5FFFF  }
0xac: {  	[dreg:$0x1] =	wrdreg $0xFFFFFFFF  }
0xad: {  	[dreg:$0x0] =	wrdreg $0x60  }
0xae: {  	[dreg:$0x2] =	wrdreg s2  }
0xaf: {  	[dreg:$0x3] =	wrdreg s24  }
0xb0: {  	[dreg:$0x4] =	wrdreg $0x9  }
0xb1: {  	_ =	task.clear_ibuf [dreg:s7], $0x5FFFF;
	_ =	strace $0x90000046  }
0xb2: {  	s29 =	simm.s32 $0x9;
	_ =	strace $0x80000048  }
0xb3: {  	_ =	swait.ge [sflag:s29], $0x1  }
0xb4: {  	[sflag:s29] =	ssyncadd.s32 $0xFFFFFFFF  }
0xb5: {  	_ =	strace $0x90000048  }
0xb6: {  	_ =	sfence  }
0xb7: {  	s30 =	sld [smem:$0x0];
	_ =	sdelay $0x2  }
0xb8: {  	s31 =	sshll.u32 s1, $0xD;
	s1 =	sshrl.u32 s1, $0x2  }
0xb9: {  	s3 =	sand.u32 $0x4000, s31;
	s1 =	sadd.s32 s1, s30  }
0xba: {  	s0 =	sor.u32 s3, s0;
	s1 =	sshll.u32 s1, $0x11  }
0xbb: {  	s0 =	sor.u32 s1, s0  }
0xbc: {  	s0 =	sadd.s32 $0x8F2B, s0  }
0xbd: {  	[sflag:s0] =	ssyncadd.remote.s32 $0x1  }
0xbe: {  	_ =	sfence.sel $0xFFFF  }
0xbf: {  	[dreg:$0x0] =	wrdreg $0xFFFFFFFF;
	(pc) =	sbr.abs _section_cstart, $3  }
0xc0: {  	[dreg:$0x1] =	wrdreg $0xFFFFFFFF  }
0xc1: {  	_ =	task.clear_ibuf [dreg:s7], $0x2FFFF;
	_ =	strace $0x9FFFFFFF  }
0xc2: {  	(tm) =	ssettm $0x7FFFFFFF  }
0xc3: {  	_ =	shalt  }
tec
execute0_lowered:
.L_overlay_start_1:
0x0: {  	(tag) =	ssettag $0x1  }
0x1: {  	s4 =	rddreg [dreg:$0x0]  }
0x2: {  	s0 =	srdreg.scid;
	s5 =	rddreg [dreg:$0x1];
	s2 =	simm.s32 $0x0  }
0x3: {  	s10 =	simm.s32 $0x4000;
	s11 =	simm.s32 $0xC000;
	s12 =	simm.s32 $0xE800  }
0x4: {  	s13 =	simm.s32 $0x8000;
	s14 =	simm.s32 $0x80;
	s3 =	sand.u32 $0x1, s0  }
0x5: {  	s15 =	simm.s32 $0x400;
	s0 =	stileid.u32;
	s1 =	sshll.u32 s3, $0x4  }
0x6: {  	s16 =	simm.s32 $0x0;
	[smem:$0x7FF] =	sst s2;
	s6 =	sor.u32 s0, s1  }
0x7: {  	s8 =	sshll.u32 s0, $0x7;
	s3 =	ssub.s32 $0x2, s3;
	s7 =	sshrl.u32 s6, $0x3  }
0x8: {  	s1 =	rddreg [dreg:$0x2];
	s8 =	sand.u32 $0x380, s8;
	s7 =	smul.u32 $0x14000, s7  }
0x9: {  	_ =	strace $0x80000047;
	s31 =	sshrl.u32 s3, $0x1;
	s6 =	sshll.u32 s6, $0xB  }
0xa: {  	s9 =	ssub.s32 s3, s31;
	s30 =	sadd.s32 s6, s5;
	s7 =	sor.u32 s8, s7  }
0xb: {  	s3 =	sadd.s32 s4, s6;
	s4 =	sadd.s32 $0x6200, s30;
	s7 =	sshrl.u32 s7, $0x3  }
0xc: {  	s8 =	smax.u32 s9, $0x1;
	s9 =	simm.s32 $0x1;
	s7 =	sadd.s32 s7, s5  }
0xd: {  	v0 =	vimm.f32 $0.0e+00;
	v1 =	vimm.f32 $1.000000000e+00;
	s5 =	sadd.s32 $0x16200, s30;
	s6 =	sadd.s32 $0x26200, s7;
	s7 =	sadd.s32 $0x30200, s7  }
.LBB2_1:
0xe: {  	s17 =	simm.s32 $0x40;
	s18 =	simm.s32 $0x0  }
.LBB2_2:
0xf: {  	p0 =	sne.s32 s17, $0x9FC0;
	[tilespmem:s18+$0xC000] =	vst v0;
	s19 =	smov.u32 s17;
	s17 =	sadd.s32 $0x40, s17  }
.Ltmp0:
0x10: {  	[tilespmem:s18+$0xE800] =	vst v0;
	(pc) =	sbr.rel @p0 .LBB2_2-.Ltmp0, $2  }
0x11: {  	_ =	sdelay $0x2  }
0x12: {  	s18 =	sshra.s32 s19, $0x2  }
0x13: {  	[tilespmem:s18+$0xC000] =	vst v0  }
0x14: {  	[tilespmem:s18+$0xE800] =	vst v0;
	s17 =	simm.s32 $0x0  }
0x15: {  	[tilespmem:s17], [sflag:$0x1] =	stream.linear.gather [hbm4b:s3+s17], $0x3E80, $0x38;
	[tilespmem:$0x11000] =	vst v63  }
0x16: {  	_ =	swait.ge [sflag:s9], $0x3E80  }
0x17: {  	[sflag:s9] =	ssyncset.done $0x0  }
0x18: {  	[sflag:s9] =	ssyncadd.s32 $0xFFFFC180  }
0x19: {  	[tilespmem:s10], [sflag:$0x1] =	stream.linear.gather [hbm4b:s4+s17], $0x3E80, $0x38;
	[tilespmem:$0x11000] =	vst v63  }
0x1a: {  	_ =	swait.ge [sflag:s9], $0x3E80  }
0x1b: {  	[sflag:s9] =	ssyncset.done $0x0  }
0x1c: {  	[sflag:s9] =	ssyncadd.s32 $0xFFFFC180  }
.LBB2_4:
0x1d: {  	s18 =	sshra.s32 s17, $0x2  }
0x1e: {  	v2 =	vld [tilespmem:s18+$0x0]  }
0x1f: {  	v3 =	vld [tilespmem:s18+$0x4000];
	_ =	sdelay $0x4  }
0x20: {  	vm0 =	veq.s32 v2, v3  }
0x21: {  	v2 =	vsel vm0, $0x2710, v2  }
0x22: {  	v3 =	vsel vm0, $0x2710, v3;
	_ =	sdelay $0x2  }
0x23: {  	[tilespmem:s18+$0x8000] =	vst v3  }
0x24: {  	[tilespmem:v2+s11+$0x0] =	vst.idx.add.f32.msk $0xffff, v1  }
0x25: {  	[tilespmem:v3+s12+$0x0] =	vst.idx.add.f32.msk $0xffff, v1  }
0x26: {  	v2 =	vld [tilespmem:s18+$0x10]  }
0x27: {  	v3 =	vld [tilespmem:s18+$0x4010];
	_ =	sdelay $0x4  }
0x28: {  	vm12 =	veq.s32 v2, v3  }
0x29: {  	v2 =	vsel vm12, $0x2710, v2  }
0x2a: {  	v3 =	vsel vm12, $0x2710, v3;
	_ =	sdelay $0x2  }
0x2b: {  	[tilespmem:s18+$0x8010] =	vst v3  }
0x2c: {  	[tilespmem:v2+s11+$0x0] =	vst.idx.add.f32.msk $0xffff, v1  }
0x2d: {  	[tilespmem:v3+s12+$0x0] =	vst.idx.add.f32.msk $0xffff, v1  }
0x2e: {  	v2 =	vld [tilespmem:s18+$0x20]  }
0x2f: {  	v3 =	vld [tilespmem:s18+$0x4020];
	_ =	sdelay $0x4  }
0x30: {  	vm13 =	veq.s32 v2, v3  }
0x31: {  	v2 =	vsel vm13, $0x2710, v2  }
0x32: {  	v3 =	vsel vm13, $0x2710, v3;
	_ =	sdelay $0x2  }
0x33: {  	[tilespmem:s18+$0x8020] =	vst v3  }
0x34: {  	[tilespmem:v2+s11+$0x0] =	vst.idx.add.f32.msk $0xffff, v1  }
0x35: {  	[tilespmem:v3+s12+$0x0] =	vst.idx.add.f32.msk $0xffff, v1  }
0x36: {  	v2 =	vld [tilespmem:s18+$0x30]  }
0x37: {  	v3 =	vld [tilespmem:s18+$0x4030];
	_ =	sdelay $0x4  }
0x38: {  	vm14 =	veq.s32 v2, v3  }
0x39: {  	v2 =	vsel vm14, $0x2710, v2  }
0x3a: {  	v3 =	vsel vm14, $0x2710, v3;
	_ =	sdelay $0x2  }
0x3b: {  	[tilespmem:s18+$0x8030] =	vst v3  }
0x3c: {  	[tilespmem:v2+s11+$0x0] =	vst.idx.add.f32.msk $0xffff, v1  }
0x3d: {  	[tilespmem:v3+s12+$0x0] =	vst.idx.add.f32.msk $0xffff, v1  }
0x3e: {  	v2 =	vld [tilespmem:s18+$0x40]  }
0x3f: {  	v3 =	vld [tilespmem:s18+$0x4040];
	_ =	sdelay $0x4  }
0x40: {  	vm15 =	veq.s32 v2, v3  }
0x41: {  	v2 =	vsel vm15, $0x2710, v2  }
0x42: {  	p0 =	sne.s32 s17, $0xF800;
	v3 =	vsel vm15, $0x2710, v3  }
.Ltmp1:
0x43: {  	_ = 	snop;
	(pc) =	sbr.rel @p0 .LBB2_4-.Ltmp1, $4  }
0x44: {  	_ = 	snop  }
0x45: {  	[tilespmem:s18+$0x8040] =	vst v3  }
0x46: {  	[tilespmem:v2+s11+$0x0] =	vst.idx.add.f32.msk $0xffff, v1  }
0x47: {  	s17 =	sadd.s32 $0x200, s17;
	[tilespmem:v3+s12+$0x0] =	vst.idx.add.f32.msk $0xffff, v1  }
0x48: {  	[hbm4b:s5+s2] =	stream.linear.scatter [tilespmem:s13], [sflag:$0x1], $0x3E80, $0x38;
	[tilespmem:$0x11000] =	vst v63  }
0x49: {  	_ =	swait.ge [sflag:s9], $0x3E80  }
0x4a: {  	[sflag:s9] =	ssyncset.done $0x0  }
0x4b: {  	[sflag:s9] =	ssyncadd.s32 $0xFFFFC180  }
0x4c: {  	[hbm4b:s6+s14] =	stream.strided.scatter [tilespmem:s11], [sflag:$0x1], $0x2800, s15, s14, $0x38;
	[tilespmem:$0x11000] =	vst v63  }
0x4d: {  	s16 =	sadd.s32 $0x1, s16;
	_ =	swait.ge [sflag:s9], $0x2800  }
0x4e: {  	p0 =	sne.s32 s16, s8;
	[sflag:s9] =	ssyncset.done $0x0  }
.Ltmp2:
0x4f: {  	[sflag:s9] =	ssyncadd.s32 $0xFFFFD800;
	(pc) =	sbr.rel @p0 .LBB2_1-.Ltmp2, $4  }
0x50: {  	[hbm4b:s7+s14] =	stream.strided.scatter [tilespmem:s12], [sflag:$0x1], $0x2800, s15, s14, $0x38;
	[tilespmem:$0x11000] =	vst v63  }
0x51: {  	_ =	swait.ge [sflag:s9], $0x2800  }
0x52: {  	[sflag:s9] =	ssyncset.done $0x0  }
0x53: {  	[sflag:s9] =	ssyncadd.s32 $0xFFFFD800  }
0x54: {  	_ =	sfence.sel $0x180000  }
0x55: {  	[bflag:$0x0] =	sbarrier.arrive $0xFFFF  }
0x56: {  	p0 =	sne.s32 s0, $0x0;
	_ =	strace $0x90000047  }
0x57: {  	s0 =	sadd.s32 @!p0 $0x100000, s1;
	[bflag:$0x2] =	sbarrier.arrive $0xFFFF  }
0x58: {  	[sflag:s0] =	ssyncadd.tile.s32 @!p0 $0x1;
	_ =	shalt  }
.Lfunc_end2:
_tile_overlayer_lowered:
.L_overlay_start_2:
0x59: {  	(tag) =	ssettag $0x2  }
0x5a: {  	s0 =	rddreg [dreg:$0x0];
	s2 =	stileid.u32  }
0x5b: {  	s1 =	rddreg [dreg:$0x1];
	p0 =	sne.s32 s2, $0x0  }
0x5c: {  	s3 =	rddreg [dreg:$0x2];
	[bflag:$0x3] =	sbarrier.arrive $0xFFFF;
	s2 =	simm.s32 @!p0 $0x1C01  }
0x5d: {  	[timem:s3], [sflag:s2] =	dma.local @!p0 [hbm:s0], s1  }
0x5e: {  	s0 =	simm.s32 @!p0 $0x1  }
0x5f: {  	_ =	swait.ge @!p0 [sflag:s0], s1  }
0x60: {  	s1 =	ssub.s32 @!p0 $0x0, s1;
	[sflag:s0] =	ssyncset.done @!p0 $0x0  }
0x61: {  	[sflag:s0] =	ssyncadd.s32 @!p0 s1  }
0x62: {  	[bflag:$0x3] =	sbarrier.arrive $0xFFFF  }
0x63: {  	_ =	shalt  }

// kernel: kernel.13.cloned.1.call-start
scs
__scs_entry_jumppad:
0x0: {  	(pc) =	sbr.rel $0x88, $3  }
0x1: {  	(tag) =	ssettag $0x0;
	lr =	simm.s32 $0x1  }
0x2: {  	[smem:$0x3F96] =	sst lr;
	_ =	strace $0xD0000000  }
0x3: {  	_ = 	snop  }
0x4: {  	_ = 	snop  }
0x5: {  	_ = 	snop  }
0x6: {  	_ = 	snop  }
0x7: {  	_ = 	snop  }
__scs_overlays_trampoline_lowered:
0x8: {  	[smem:$0x3FA5] =	sst s0  }
0x9: {  	[smem:$0x3FA6] =	sst s1  }
0xa: {  	[smem:$0x3FA7] =	sst s2  }
0xb: {  	[smem:$0x3FA8] =	sst s3  }
0xc: {  	[smem:$0x3FA9] =	sst s4  }
0xd: {  	[smem:$0x3FAA] =	sst s5  }
0xe: {  	[smem:$0x3FAB] =	sst s6  }
0xf: {  	[smem:$0x3FAC] =	sst s7  }
0x10: {  	[smem:$0x3FAD] =	sst s8  }
0x11: {  	[smem:$0x3FAE] =	sst s9;
	s0 =	simm.s32 @!p0 $0x0  }
0x12: {  	s1 =	sld [smem:$0x3F94];
	s0 =	simm.s32 @p0 $0x1  }
0x13: {  	[smem:$0x3FAF] =	sst s0;
	s0 =	simm.s32 @!p1 $0x0  }
0x14: {  	s2 =	sld [smem:$0x3F93];
	s0 =	simm.s32 @p1 $0x1  }
0x15: {  	[smem:$0x3FB0] =	sst s0;
	s0 =	simm.s32 @!p2 $0x0  }
0x16: {  	s3 =	sld [smem:$0x3FDB];
	s0 =	simm.s32 @p2 $0x1  }
0x17: {  	s4 =	simm.s32 $0x1BF5;
	[smem:$0x3FB2] =	sst s0  }
0x18: {  	s0 =	sld [smem:$0x3F95];
	_ =	swait.ge [sflag:s4], $0x0  }
0x19: {  	s7 =	sld [smem:$0x3F96]  }
0x1a: {  	s8 =	sadd.s32 $0xFFFFE003, lr  }
0x1b: {  	s9 =	sadd.s32 $0xFFFFFEF7, lr;
	s5 =	simm.s32 $0xFFFFFFFF;
	p2 =	slt.u32 s8, $0xFFFFF086  }
0x1c: {  	p1 =	slt.u32 s9, $0xF7A;
	s5 =	simm.s32 @!p2 $0x0  }
0x1d: {  	s5 =	simm.s32 @p1 $0x1;
	p0 =	seq.s32 s7, s2  }
0x1e: {  	s7 =	smul.u32 @!p0 $0xF7A, s2;
	p2 =	seq.s32 @!p0 s5, $0x0  }
0x1f: {  	s9 =	smul.u32 $0xF7A, s1;
	s8 =	simm.s32 @!p0 $0x1BF5;
	p2 =	por !p2, p0  }
0x20: {  	[sflag:s8] =	ssyncset.s32 @!p0 $0xFFFFF086;
	s6 =	sadd.s32 @!p0 s3, s7;
	s7 =	simm.s32 @!p0 $0x108  }
0x21: {  	s3 =	sadd.s32 s3, s9;
	s6 =	sadd.s32 @!p0 $0x88, s6;
	s7 =	simm.s32 @p2 $0x1082  }
0x22: {  	[simem:s7], [sflag:s8] =	dma.local @!p0 [hbm:s6], $0xF7A  }
0x23: {  	s9 =	sor.u32 $0xD0000000, s2;
	s6 =	simm.s32 $0x108;
	_ =	swait.ge @!p0 [sflag:s8], $0x0  }
0x24: {  	s3 =	sadd.s32 $0x88, s3;
	s6 =	simm.s32 @!p1 $0x1082;
	[sflag:s4] =	ssyncset.s32 $0xFFFFF086  }
0x25: {  	[simem:s6], [sflag:s4] =	dma.local [hbm:s3], $0xF7A  }
0x26: {  	[smem:$0x3F96] =	sst s1;
	(tag) =	ssettag s2;
	_ =	strace s9  }
0x27: {  	s1 =	sld [smem:$0x3FA6]  }
0x28: {  	s2 =	sld [smem:$0x3FA7]  }
0x29: {  	s4 =	sld [smem:$0x3FA9]  }
0x2a: {  	p0 =	seq.s32 s5, $0x0;
	s5 =	sld [smem:$0x3FAA]  }
0x2b: {  	s6 =	sld [smem:$0x3FAB]  }
0x2c: {  	s7 =	sld [smem:$0x3FAC]  }
0x2d: {  	s3 =	simm.s32 $0x108;
	s8 =	sld [smem:$0x3FAD]  }
0x2e: {  	s3 =	simm.s32 @!p0 $0x1082;
	s9 =	sld [smem:$0x3FAE]  }
0x2f: {  	lr =	sadd.s32 s0, s3;
	s0 =	sld [smem:$0x3FA5]  }
0x30: {  	s3 =	sld [smem:$0x3FA8]  }
0x31: {  	[smem:$0x3FB1] =	sst s10  }
0x32: {  	s10 =	sld [smem:$0x3FAF];
	_ =	sdelay $0x3  }
0x33: {  	p0 =	seq.s32 s10, $0x1;
	s10 =	sld [smem:$0x3FB1];
	_ =	sdelay $0x3  }
0x34: {  	[smem:$0x3FB1] =	sst s10  }
0x35: {  	s10 =	sld [smem:$0x3FB0];
	_ =	sdelay $0x3  }
0x36: {  	p1 =	seq.s32 s10, $0x1;
	s10 =	sld [smem:$0x3FB1];
	_ =	sdelay $0x3  }
0x37: {  	[smem:$0x3FB1] =	sst s10  }
0x38: {  	s10 =	sld [smem:$0x3FB2]  }
0x39: {  	_ = 	snop;
	(pc) =	sbr.ind lr, $3  }
0x3a: {  	_ = 	snop  }
0x3b: {  	_ = 	snop  }
0x3c: {  	p2 =	seq.s32 s10, $0x1;
	s10 =	sld [smem:$0x3FB1]  }
0x3d: {  	_ =	shalt  }
0x3e: {  	_ =	shalt  }
0x3f: {  	_ =	shalt  }
0x40: {  	_ =	shalt  }
0x41: {  	_ =	shalt  }
0x42: {  	_ =	shalt  }
0x43: {  	_ =	shalt  }
0x44: {  	_ =	shalt  }
0x45: {  	_ =	shalt  }
0x46: {  	_ =	shalt  }
0x47: {  	_ =	shalt  }
0x48: {  	_ =	shalt  }
0x49: {  	_ =	shalt  }
0x4a: {  	_ =	shalt  }
0x4b: {  	_ =	shalt  }
0x4c: {  	_ =	shalt  }
0x4d: {  	_ =	shalt  }
0x4e: {  	_ =	shalt  }
0x4f: {  	_ =	shalt  }
0x50: {  	_ =	shalt  }
0x51: {  	_ =	shalt  }
0x52: {  	_ =	shalt  }
0x53: {  	_ =	shalt  }
0x54: {  	_ =	shalt  }
0x55: {  	_ =	shalt  }
0x56: {  	_ =	shalt  }
0x57: {  	_ =	shalt  }
0x58: {  	_ =	shalt  }
0x59: {  	_ =	shalt  }
0x5a: {  	_ =	shalt  }
0x5b: {  	_ =	shalt  }
0x5c: {  	_ =	shalt  }
0x5d: {  	_ =	shalt  }
0x5e: {  	_ =	shalt  }
0x5f: {  	_ =	shalt  }
0x60: {  	_ =	shalt  }
0x61: {  	_ =	shalt  }
0x62: {  	_ =	shalt  }
0x63: {  	_ =	shalt  }
0x64: {  	_ =	shalt  }
0x65: {  	_ =	shalt  }
0x66: {  	_ =	shalt  }
0x67: {  	_ =	shalt  }
0x68: {  	_ =	shalt  }
0x69: {  	_ =	shalt  }
0x6a: {  	_ =	shalt  }
0x6b: {  	_ =	shalt  }
0x6c: {  	_ =	shalt  }
0x6d: {  	_ =	shalt  }
0x6e: {  	_ =	shalt  }
0x6f: {  	_ =	shalt  }
0x70: {  	_ =	shalt  }
0x71: {  	_ =	shalt  }
0x72: {  	_ =	shalt  }
0x73: {  	_ =	shalt  }
0x74: {  	_ =	shalt  }
0x75: {  	_ =	shalt  }
0x76: {  	_ =	shalt  }
0x77: {  	_ =	shalt  }
0x78: {  	_ =	shalt  }
0x79: {  	_ =	shalt  }
0x7a: {  	_ =	shalt  }
0x7b: {  	_ =	shalt  }
0x7c: {  	_ =	shalt  }
0x7d: {  	_ =	shalt  }
0x7e: {  	_ =	shalt  }
0x7f: {  	_ =	shalt  }
0x80: {  	_ =	shalt  }
0x81: {  	_ =	shalt  }
0x82: {  	_ =	shalt  }
0x83: {  	_ =	shalt  }
0x84: {  	_ =	shalt  }
0x85: {  	_ =	shalt  }
0x86: {  	_ =	shalt  }
0x87: {  	_ =	shalt  }
.Lfunc_end0:
.L_simem_size_0:
called_computation.1_lowered:
.L_overlay_start_0:
0x88: {  	s2 =	sld [smem:$0x3FD9]  }
0x89: {  	s3 =	sld [smem:$0x3FFE];
	_ =	sdelay $0x1  }
0x8a: {  	s1 =	srdreg.scid  }
0x8b: {  	s0 =	sand.u32 $0x1, s1  }
0x8c: {  	s17 =	sshll.u32 s0, $0xA;
	s2 =	sadd.s32 s3, s2  }
0x8d: {  	s2 =	sadd.s32 s2, s17  }
0x8e: {  	[smem:$0x3FBD] =	sst s2  }
0x8f: {  	_ = 	snop  }
0x90: {  	s2 =	sld [smem:$0x3FD0];
	(tm) =	ssettm $0x1  }
0x91: {  	s18 =	sld [smem:$0x3FFB];
	_ =	sdelay $0x3  }
0x92: {  	_ =	strace s18  }
0x93: {  	s3 =	sld [smem:$0x3FFC];
	_ =	sdelay $0x3  }
0x94: {  	_ =	strace s3  }
0x95: {  	s3 =	sld [smem:$0x3FFD];
	_ =	sdelay $0x3  }
0x96: {  	_ =	strace s3  }
0x97: {  	_ =	strace $0x8FFFFFFF  }
0x98: {  	s19 =	sld [smem:$0x3FDB];
	_ =	sdelay $0x1  }
0x99: {  	s4 =	simm.s32 $_scs_section_size  }
0x9a: {  	s5 =	simm.s32 $_size__tile_overlayer_lowered;
	s6 =	simm.s32 $_tile_overlayer_lowered  }
0x9b: {  	s22 =	simm.s32 $0x1BFF;
	s21 =	sshll.u32 s6, $0x1;
	s3 =	sadd.s32 s4, s19  }
0x9c: {  	s7 =	simm.s32 $0x0;
	s20 =	sshll.u32 s5, $0x1;
	s5 =	sadd.s32 s21, s3  }
0x9d: {  	[timem:s7], [sflag:s22] =	dma.local [hbm:s5], s20  }
0x9e: {  	_ =	swait.ge [sflag:s22], s20  }
0x9f: {  	s4 =	ssub.s32 $0x0, s20;
	[sflag:s22] =	ssyncset.done $0x0  }
0xa0: {  	[sflag:s22] =	ssyncadd.s32 s4;
	_ =	sdelay $0x1  }
0xa1: {  	s23 =	simm.s32 $0x1B8B  }
0xa2: {  	_ =	swait.ge [sflag:s23], $0x1  }
0xa3: {  	[sflag:s23] =	ssyncset.done $0x0  }
0xa4: {  	s25 =	simm.s32 $0x1B8E;
	s24 =	sld [smem:$0x3FFE];
	[sflag:s23] =	ssyncadd.s32 $0xFFFFFFFF  }
0xa5: {  	s26 =	simm.s32 $execute0_lowered;
	[smem:$0x3FD2] =	sst s25  }
0xa6: {  	s5 =	sshll.u32 s26, $0x1;
	_ =	strace $0x80000049;
	[dreg:$0x1] =	wrdreg $0xFFFFFFFF  }
0xa7: {  	s28 =	simm.s32 $_size_execute0_lowered;
	s3 =	sadd.s32 s3, s5;
	[dreg:$0x0] =	wrdreg $0x0  }
0xa8: {  	s5 =	sshll.u32 s28, $0x1;
	[dreg:$0x2] =	wrdreg s3  }
0xa9: {  	[dreg:$0x3] =	wrdreg s5  }
0xaa: {  	[dreg:$0x4] =	wrdreg $0xC0  }
0xab: {  	_ =	task [dreg:s7], $0x5FFFF  }
0xac: {  	[dreg:$0x1] =	wrdreg $0xFFFFFFFF  }
0xad: {  	[dreg:$0x0] =	wrdreg $0x60  }
0xae: {  	[dreg:$0x2] =	wrdreg s24  }
0xaf: {  	[dreg:$0x3] =	wrdreg s2  }
0xb0: {  	[dreg:$0x4] =	wrdreg $0x90000  }
0xb1: {  	[dreg:$0x5] =	wrdreg $0x9  }
0xb2: {  	_ =	task.clear_ibuf [dreg:s7], $0x6FFFF;
	_ =	strace $0x90000049  }
0xb3: {  	s29 =	simm.s32 $0x9;
	_ =	strace $0x8000004B  }
0xb4: {  	_ =	swait.ge [sflag:s29], $0x1  }
0xb5: {  	[sflag:s29] =	ssyncadd.s32 $0xFFFFFFFF  }
0xb6: {  	_ =	strace $0x9000004B  }
0xb7: {  	_ =	sfence  }
0xb8: {  	s30 =	sld [smem:$0x0];
	_ =	sdelay $0x2  }
0xb9: {  	s31 =	sshll.u32 s1, $0xD;
	s1 =	sshrl.u32 s1, $0x2  }
0xba: {  	s3 =	sand.u32 $0x4000, s31;
	s1 =	sadd.s32 s1, s30  }
0xbb: {  	s0 =	sor.u32 s3, s0;
	s1 =	sshll.u32 s1, $0x11  }
0xbc: {  	s0 =	sor.u32 s1, s0  }
0xbd: {  	s0 =	sadd.s32 $0x8F2B, s0  }
0xbe: {  	[sflag:s0] =	ssyncadd.remote.s32 $0x1  }
0xbf: {  	_ =	sfence.sel $0xFFFF  }
0xc0: {  	[dreg:$0x0] =	wrdreg $0xFFFFFFFF;
	(pc) =	sbr.abs _section_cstart, $3  }
0xc1: {  	[dreg:$0x1] =	wrdreg $0xFFFFFFFF  }
0xc2: {  	_ =	task.clear_ibuf [dreg:s7], $0x2FFFF;
	_ =	strace $0x9FFFFFFF  }
0xc3: {  	(tm) =	ssettm $0x7FFFFFFF  }
tec
execute0_lowered:
.L_overlay_start_1:
0x0: {  	(tag) =	ssettag $0x1  }
0x1: {  	s5 =	rddreg [dreg:$0x0]  }
0x2: {  	s7 =	rddreg [dreg:$0x1]  }
0x3: {  	s1 =	rddreg [dreg:$0x2];
	s2 =	srdreg.scid  }
0x4: {  	s0 =	rddreg [dreg:$0x3];
	s3 =	simm.s32 $0x0;
	s19 =	simm.s32 $0x5000  }
0x5: {  	s20 =	simm.s32 $0x1;
	s21 =	simm.s32 $0x2800;
	s6 =	sand.u32 $0x1, s2  }
0x6: {  	s22 =	simm.s32 $0x7D;
	s2 =	stileid.u32;
	s8 =	smul.u32 $0x140000, s6  }
0x7: {  	[smem:$0x7FF] =	sst s3;
	s4 =	sshll.u32 s6, $0x4;
	s10 =	smul.u32 $0x14000, s2  }
0x8: {  	s6 =	ssub.s32 $0x2, s6;
	s30 =	smul.u32 $0x50000, s2;
	s9 =	sor.u32 s2, s4  }
0x9: {  	_ =	strace $0x8000004A;
	s12 =	sshrl.u32 s6, $0x1;
	s9 =	smul.u32 $0x500, s9  }
0xa: {  	s4 =	sadd.s32 $0x6200, s5;
	s8 =	sadd.s32 s10, s8;
	s12 =	ssub.s32 s6, s12  }
0xb: {  	s31 =	sshrl.u32 s30, $0x2;
	s8 =	sshrl.u32 s8, $0x3;
	s11 =	sadd.s32 s9, s5  }
0xc: {  	s8 =	sadd.s32 s8, s5;
	s5 =	sadd.s32 s31, s1;
	s7 =	sadd.s32 s7, s9  }
0xd: {  	s9 =	smax.u32 s12, $0x1;
	s6 =	sadd.s32 $0x3A200, s11;
	s8 =	sadd.s32 $0xBC200, s8  }
0xe: {  	s10 =	sadd.s32 $0x2000, s5;
	s11 =	sadd.s32 $0x4000, s5;
	s12 =	sadd.s32 $0x6000, s5  }
0xf: {  	s13 =	sadd.s32 $0x8000, s5;
	s14 =	sadd.s32 $0xA000, s5;
	s15 =	sadd.s32 $0xC000, s5  }
0x10: {  	v0 =	vimm.f32 $0.0e+00;
	s16 =	sadd.s32 $0xE000, s5;
	s17 =	sadd.s32 $0x10000, s5;
	s18 =	sadd.s32 $0x12000, s5  }
.LBB2_1:
0x11: {  	s23 =	simm.s32 $0x0;
	s24 =	simm.s32 $0x200  }
.LBB2_2:
0x12: {  	p0 =	sne.s32 s24, $0x7E00;
	[tilespmem:s23+$0x5070] =	vst v0  }
0x13: {  	[tilespmem:s23+$0x5000] =	vst v0  }
0x14: {  	[tilespmem:s23+$0x5010] =	vst v0  }
.Ltmp0:
0x15: {  	[tilespmem:s23+$0x5020] =	vst v0;
	(pc) =	sbr.rel @p0 .LBB2_2-.Ltmp0, $4  }
0x16: {  	[tilespmem:s23+$0x5030] =	vst v0  }
0x17: {  	[tilespmem:s23+$0x5040] =	vst v0  }
0x18: {  	[tilespmem:s23+$0x5050] =	vst v0  }
0x19: {  	[tilespmem:s23+$0x5060] =	vst v0;
	s23 =	sshra.s32 s24, $0x2;
	s24 =	sadd.s32 $0x200, s24  }
0x1a: {  	[tilespmem:s23+$0x5070] =	vst v0  }
0x1b: {  	[tilespmem:s23+$0x5000] =	vst v0  }
0x1c: {  	[tilespmem:s23+$0x5010] =	vst v0  }
0x1d: {  	[tilespmem:s23+$0x5020] =	vst v0  }
0x1e: {  	[tilespmem:s23+$0x5030] =	vst v0  }
0x1f: {  	[tilespmem:s23+$0x5040] =	vst v0  }
0x20: {  	[tilespmem:s23+$0x5050] =	vst v0  }
0x21: {  	[tilespmem:s23+$0x5060] =	vst v0  }
0x22: {  	[spmem:s5] =	stream.linear.scatter [tilespmem:s19], [sflag:$0x1], $0x2000, $0x38;
	[tilespmem:$0x1D000] =	vst v63  }
0x23: {  	_ =	swait.ge [sflag:s20], $0x2000  }
0x24: {  	[sflag:s20] =	ssyncset.done $0x0  }
0x25: {  	[sflag:s20] =	ssyncadd.s32 $0xFFFFE000  }
0x26: {  	[spmem:s10] =	stream.linear.scatter [tilespmem:s19], [sflag:$0x1], $0x2000, $0x38;
	[tilespmem:$0x1D000] =	vst v63  }
0x27: {  	_ =	swait.ge [sflag:s20], $0x2000  }
0x28: {  	[sflag:s20] =	ssyncset.done $0x0  }
0x29: {  	[sflag:s20] =	ssyncadd.s32 $0xFFFFE000  }
0x2a: {  	[spmem:s11] =	stream.linear.scatter [tilespmem:s19], [sflag:$0x1], $0x2000, $0x38;
	[tilespmem:$0x1D000] =	vst v63  }
0x2b: {  	_ =	swait.ge [sflag:s20], $0x2000  }
0x2c: {  	[sflag:s20] =	ssyncset.done $0x0  }
0x2d: {  	[sflag:s20] =	ssyncadd.s32 $0xFFFFE000  }
0x2e: {  	[spmem:s12] =	stream.linear.scatter [tilespmem:s19], [sflag:$0x1], $0x2000, $0x38;
	[tilespmem:$0x1D000] =	vst v63  }
0x2f: {  	_ =	swait.ge [sflag:s20], $0x2000  }
0x30: {  	[sflag:s20] =	ssyncset.done $0x0  }
0x31: {  	[sflag:s20] =	ssyncadd.s32 $0xFFFFE000  }
0x32: {  	[spmem:s13] =	stream.linear.scatter [tilespmem:s19], [sflag:$0x1], $0x2000, $0x38;
	[tilespmem:$0x1D000] =	vst v63  }
0x33: {  	_ =	swait.ge [sflag:s20], $0x2000  }
0x34: {  	[sflag:s20] =	ssyncset.done $0x0  }
0x35: {  	[sflag:s20] =	ssyncadd.s32 $0xFFFFE000  }
0x36: {  	[spmem:s14] =	stream.linear.scatter [tilespmem:s19], [sflag:$0x1], $0x2000, $0x38;
	[tilespmem:$0x1D000] =	vst v63  }
0x37: {  	_ =	swait.ge [sflag:s20], $0x2000  }
0x38: {  	[sflag:s20] =	ssyncset.done $0x0  }
0x39: {  	[sflag:s20] =	ssyncadd.s32 $0xFFFFE000  }
0x3a: {  	[spmem:s15] =	stream.linear.scatter [tilespmem:s19], [sflag:$0x1], $0x2000, $0x38;
	[tilespmem:$0x1D000] =	vst v63  }
0x3b: {  	_ =	swait.ge [sflag:s20], $0x2000  }
0x3c: {  	[sflag:s20] =	ssyncset.done $0x0  }
0x3d: {  	[sflag:s20] =	ssyncadd.s32 $0xFFFFE000  }
0x3e: {  	[spmem:s16] =	stream.linear.scatter [tilespmem:s19], [sflag:$0x1], $0x2000, $0x38;
	[tilespmem:$0x1D000] =	vst v63  }
0x3f: {  	_ =	swait.ge [sflag:s20], $0x2000  }
0x40: {  	[sflag:s20] =	ssyncset.done $0x0  }
0x41: {  	[sflag:s20] =	ssyncadd.s32 $0xFFFFE000  }
0x42: {  	[spmem:s17] =	stream.linear.scatter [tilespmem:s19], [sflag:$0x1], $0x2000, $0x38;
	[tilespmem:$0x1D000] =	vst v63  }
0x43: {  	_ =	swait.ge [sflag:s20], $0x2000  }
0x44: {  	[sflag:s20] =	ssyncset.done $0x0  }
0x45: {  	[sflag:s20] =	ssyncadd.s32 $0xFFFFE000  }
0x46: {  	[spmem:s18] =	stream.linear.scatter [tilespmem:s19], [sflag:$0x1], $0x2000, $0x38;
	[tilespmem:$0x1D000] =	vst v63  }
0x47: {  	_ =	swait.ge [sflag:s20], $0x2000  }
0x48: {  	[sflag:s20] =	ssyncset.done $0x0  }
0x49: {  	[sflag:s20] =	ssyncadd.s32 $0xFFFFE000  }
0x4a: {  	s29 =	simm.s32 $0x0;
	[bflag:$0x0] =	sbarrier.arrive $0xFFFF  }
0x4b: {  	[tilespmem:s29], [sflag:$0x1] =	stream.linear.gather [hbm4b:s6+s29], $0x2800, $0x38;
	[tilespmem:$0x1D000] =	vst v63  }
0x4c: {  	_ =	swait.ge [sflag:s20], $0x2800  }
0x4d: {  	[sflag:s20] =	ssyncset.done $0x0  }
0x4e: {  	[sflag:s20] =	ssyncadd.s32 $0xFFFFD800  }
0x4f: {  	[tilespmem:s21], [sflag:$0x1] =	stream.linear.gather [hbm4b:s7+s29], $0x2800, $0x38;
	[tilespmem:$0x1D000] =	vst v63  }
0x50: {  	_ =	swait.ge [sflag:s20], $0x2800  }
0x51: {  	[sflag:s20] =	ssyncset.done $0x0  }
0x52: {  	s30 =	simm.s32 $0x0;
	[sflag:s20] =	ssyncadd.s32 $0xFFFFD800  }
0x53: {  	[tilespmem:s19], [sflag:$0x1] =	stream.indirect.gather [hbm4b:s4+s22], $0x80, s30, s22, $0xb8;
	[tilespmem:$0x1D000] =	vst v63  }
0x54: {  	_ =	swait.ge [sflag:s20], $0x3E80  }
0x55: {  	[sflag:s20] =	ssyncset.done $0x0  }
0x56: {  	s31 =	simm.s32 $0x2800;
	[sflag:s20] =	ssyncadd.s32 $0xFFFFC180  }
0x57: {  	[spmem:s1] =	stream.indirect.scatter.add.f32 [tilespmem:s19], [sflag:$0x1], $0x80, s31, s22, $0xb8;
	[tilespmem:$0x1D000] =	vst v63  }
0x58: {  	_ =	swait.ge [sflag:s20], $0x3E80  }
0x59: {  	s23 =	simm.s32 $0x200;
	s24 =	simm.s32 $0x400;
	[sflag:s20] =	ssyncset.done $0x0  }
.LBB2_4:
0x5a: {  	s25 =	sshra.s32 s23, $0x2  }
0x5b: {  	[sflag:s20] =	ssyncadd.s32 $0xFFFFC180;
	s23 =	smov.u32 s24;
	s26 =	sadd.s32 $0x200, s24  }
0x5c: {  	[tilespmem:s19], [sflag:$0x1] =	stream.indirect.gather [hbm4b:s4+s22], $0x80, s25, s22, $0xb8;
	[tilespmem:$0x1D000] =	vst v63  }
0x5d: {  	p0 =	sne.s32 s24, $0x9E00;
	_ =	swait.ge [sflag:s20], $0x3E80  }
.Ltmp1:
0x5e: {  	[sflag:s20] =	ssyncset.done $0x0;
	(pc) =	sbr.rel @p0 .LBB2_4-.Ltmp1, $4  }
0x5f: {  	s24 =	sadd.s32 $0x2800, s25;
	[sflag:s20] =	ssyncadd.s32 $0xFFFFC180  }
0x60: {  	[spmem:s1] =	stream.indirect.scatter.add.f32 [tilespmem:s19], [sflag:$0x1], $0x80, s24, s22, $0xb8;
	[tilespmem:$0x1D000] =	vst v63  }
0x61: {  	_ =	swait.ge [sflag:s20], $0x3E80  }
0x62: {  	s24 =	smov.u32 s26;
	[sflag:s20] =	ssyncset.done $0x0  }
0x63: {  	s23 =	sshra.s32 s23, $0x2;
	[sflag:s20] =	ssyncadd.s32 $0xFFFFC180  }
0x64: {  	[tilespmem:s19], [sflag:$0x1] =	stream.indirect.gather [hbm4b:s4+s22], $0x80, s23, s22, $0xb8;
	[tilespmem:$0x1D000] =	vst v63  }
0x65: {  	_ =	swait.ge [sflag:s20], $0x3E80  }
0x66: {  	[sflag:s20] =	ssyncset.done $0x0  }
0x67: {  	s23 =	sadd.s32 $0x2800, s23;
	[sflag:s20] =	ssyncadd.s32 $0xFFFFC180  }
0x68: {  	[spmem:s1] =	stream.indirect.scatter.add.f32 [tilespmem:s19], [sflag:$0x1], $0x80, s23, s22, $0xb8;
	[tilespmem:$0x1D000] =	vst v63  }
0x69: {  	_ =	swait.ge [sflag:s20], $0x3E80  }
0x6a: {  	s31 =	sshll.u32 s2, $0x6;
	s3 =	sadd.s32 $0x1, s3;
	[sflag:s20] =	ssyncset.done $0x0  }
0x6b: {  	s24 =	sshrl.u32 s5, $0x3;
	p0 =	sne.s32 s3, s9;
	[sflag:s20] =	ssyncadd.s32 $0xFFFFC180  }
.Ltmp2:
0x6c: {  	s23 =	sor.u32 $0x1C01, s31;
	[bflag:$0x0] =	sbarrier.arrive $0xFFFF;
	(pc) =	sbr.rel @p0 .LBB2_1-.Ltmp2, $4  }
0x6d: {  	[hbm:s8], [sflag:s23] =	dma.local [spmem:s24], $0x2800  }
0x6e: {  	_ =	swait.ge [sflag:s20], $0x2800  }
0x6f: {  	[sflag:s20] =	ssyncset.done $0x0  }
0x70: {  	[sflag:s20] =	ssyncadd.s32 $0xFFFFD800  }
0x71: {  	_ =	sfence.sel $0x180000  }
0x72: {  	[bflag:$0x0] =	sbarrier.arrive $0xFFFF  }
0x73: {  	p0 =	sne.s32 s2, $0x0;
	_ =	strace $0x9000004A  }
0x74: {  	s0 =	sadd.s32 @!p0 $0x100000, s0;
	[bflag:$0x2] =	sbarrier.arrive $0xFFFF  }
0x75: {  	[sflag:s0] =	ssyncadd.tile.s32 @!p0 $0x1;
	_ =	shalt  }
.Lfunc_end2:
_tile_overlayer_lowered:
.L_overlay_start_2:
0x76: {  	(tag) =	ssettag $0x2  }
0x77: {  	s0 =	rddreg [dreg:$0x0];
	s2 =	stileid.u32  }
0x78: {  	s1 =	rddreg [dreg:$0x1];
	p0 =	sne.s32 s2, $0x0  }
0x79: {  	s3 =	rddreg [dreg:$0x2];
	[bflag:$0x3] =	sbarrier.arrive $0xFFFF;
	s2 =	simm.s32 @!p0 $0x1C01  }
0x7a: {  	[timem:s3], [sflag:s2] =	dma.local @!p0 [hbm:s0], s1  }
0x7b: {  	s0 =	simm.s32 @!p0 $0x1  }
0x7c: {  	_ =	swait.ge @!p0 [sflag:s0], s1  }
0x7d: {  	s1 =	ssub.s32 @!p0 $0x0, s1;
	[sflag:s0] =	ssyncset.done @!p0 $0x0  }
0x7e: {  	[sflag:s0] =	ssyncadd.s32 @!p0 s1  }
0x7f: {  	[bflag:$0x3] =	sbarrier.arrive $0xFFFF  }
0x80: {  	_ =	shalt  }

// kernel: kernel.16.cloned.1.call-start
scs
__scs_entry_jumppad:
0x0: {  	(pc) =	sbr.rel $0x88, $3  }
0x1: {  	(tag) =	ssettag $0x0;
	lr =	simm.s32 $0x1  }
0x2: {  	[smem:$0x3F96] =	sst lr;
	_ =	strace $0xD0000000  }
0x3: {  	_ = 	snop  }
0x4: {  	_ = 	snop  }
0x5: {  	_ = 	snop  }
0x6: {  	_ = 	snop  }
0x7: {  	_ = 	snop  }
__scs_overlays_trampoline_lowered:
0x8: {  	[smem:$0x3FA5] =	sst s0  }
0x9: {  	[smem:$0x3FA6] =	sst s1  }
0xa: {  	[smem:$0x3FA7] =	sst s2  }
0xb: {  	[smem:$0x3FA8] =	sst s3  }
0xc: {  	[smem:$0x3FA9] =	sst s4  }
0xd: {  	[smem:$0x3FAA] =	sst s5  }
0xe: {  	[smem:$0x3FAB] =	sst s6  }
0xf: {  	[smem:$0x3FAC] =	sst s7  }
0x10: {  	[smem:$0x3FAD] =	sst s8  }
0x11: {  	[smem:$0x3FAE] =	sst s9;
	s0 =	simm.s32 @!p0 $0x0  }
0x12: {  	s1 =	sld [smem:$0x3F94];
	s0 =	simm.s32 @p0 $0x1  }
0x13: {  	[smem:$0x3FAF] =	sst s0;
	s0 =	simm.s32 @!p1 $0x0  }
0x14: {  	s2 =	sld [smem:$0x3F93];
	s0 =	simm.s32 @p1 $0x1  }
0x15: {  	[smem:$0x3FB0] =	sst s0;
	s0 =	simm.s32 @!p2 $0x0  }
0x16: {  	s3 =	sld [smem:$0x3FDB];
	s0 =	simm.s32 @p2 $0x1  }
0x17: {  	s4 =	simm.s32 $0x1BF5;
	[smem:$0x3FB2] =	sst s0  }
0x18: {  	s0 =	sld [smem:$0x3F95];
	_ =	swait.ge [sflag:s4], $0x0  }
0x19: {  	s7 =	sld [smem:$0x3F96]  }
0x1a: {  	s8 =	sadd.s32 $0xFFFFE003, lr  }
0x1b: {  	s9 =	sadd.s32 $0xFFFFFEF7, lr;
	s5 =	simm.s32 $0xFFFFFFFF;
	p2 =	slt.u32 s8, $0xFFFFF086  }
0x1c: {  	p1 =	slt.u32 s9, $0xF7A;
	s5 =	simm.s32 @!p2 $0x0  }
0x1d: {  	s5 =	simm.s32 @p1 $0x1;
	p0 =	seq.s32 s7, s2  }
0x1e: {  	s7 =	smul.u32 @!p0 $0xF7A, s2;
	p2 =	seq.s32 @!p0 s5, $0x0  }
0x1f: {  	s9 =	smul.u32 $0xF7A, s1;
	s8 =	simm.s32 @!p0 $0x1BF5;
	p2 =	por !p2, p0  }
0x20: {  	[sflag:s8] =	ssyncset.s32 @!p0 $0xFFFFF086;
	s6 =	sadd.s32 @!p0 s3, s7;
	s7 =	simm.s32 @!p0 $0x108  }
0x21: {  	s3 =	sadd.s32 s3, s9;
	s6 =	sadd.s32 @!p0 $0x88, s6;
	s7 =	simm.s32 @p2 $0x1082  }
0x22: {  	[simem:s7], [sflag:s8] =	dma.local @!p0 [hbm:s6], $0xF7A  }
0x23: {  	s9 =	sor.u32 $0xD0000000, s2;
	s6 =	simm.s32 $0x108;
	_ =	swait.ge @!p0 [sflag:s8], $0x0  }
0x24: {  	s3 =	sadd.s32 $0x88, s3;
	s6 =	simm.s32 @!p1 $0x1082;
	[sflag:s4] =	ssyncset.s32 $0xFFFFF086  }
0x25: {  	[simem:s6], [sflag:s4] =	dma.local [hbm:s3], $0xF7A  }
0x26: {  	[smem:$0x3F96] =	sst s1;
	(tag) =	ssettag s2;
	_ =	strace s9  }
0x27: {  	s1 =	sld [smem:$0x3FA6]  }
0x28: {  	s2 =	sld [smem:$0x3FA7]  }
0x29: {  	s4 =	sld [smem:$0x3FA9]  }
0x2a: {  	p0 =	seq.s32 s5, $0x0;
	s5 =	sld [smem:$0x3FAA]  }
0x2b: {  	s6 =	sld [smem:$0x3FAB]  }
0x2c: {  	s7 =	sld [smem:$0x3FAC]  }
0x2d: {  	s3 =	simm.s32 $0x108;
	s8 =	sld [smem:$0x3FAD]  }
0x2e: {  	s3 =	simm.s32 @!p0 $0x1082;
	s9 =	sld [smem:$0x3FAE]  }
0x2f: {  	lr =	sadd.s32 s0, s3;
	s0 =	sld [smem:$0x3FA5]  }
0x30: {  	s3 =	sld [smem:$0x3FA8]  }
0x31: {  	[smem:$0x3FB1] =	sst s10  }
0x32: {  	s10 =	sld [smem:$0x3FAF];
	_ =	sdelay $0x3  }
0x33: {  	p0 =	seq.s32 s10, $0x1;
	s10 =	sld [smem:$0x3FB1];
	_ =	sdelay $0x3  }
0x34: {  	[smem:$0x3FB1] =	sst s10  }
0x35: {  	s10 =	sld [smem:$0x3FB0];
	_ =	sdelay $0x3  }
0x36: {  	p1 =	seq.s32 s10, $0x1;
	s10 =	sld [smem:$0x3FB1];
	_ =	sdelay $0x3  }
0x37: {  	[smem:$0x3FB1] =	sst s10  }
0x38: {  	s10 =	sld [smem:$0x3FB2]  }
0x39: {  	_ = 	snop;
	(pc) =	sbr.ind lr, $3  }
0x3a: {  	_ = 	snop  }
0x3b: {  	_ = 	snop  }
0x3c: {  	p2 =	seq.s32 s10, $0x1;
	s10 =	sld [smem:$0x3FB1]  }
0x3d: {  	_ =	shalt  }
0x3e: {  	_ =	shalt  }
0x3f: {  	_ =	shalt  }
0x40: {  	_ =	shalt  }
0x41: {  	_ =	shalt  }
0x42: {  	_ =	shalt  }
0x43: {  	_ =	shalt  }
0x44: {  	_ =	shalt  }
0x45: {  	_ =	shalt  }
0x46: {  	_ =	shalt  }
0x47: {  	_ =	shalt  }
0x48: {  	_ =	shalt  }
0x49: {  	_ =	shalt  }
0x4a: {  	_ =	shalt  }
0x4b: {  	_ =	shalt  }
0x4c: {  	_ =	shalt  }
0x4d: {  	_ =	shalt  }
0x4e: {  	_ =	shalt  }
0x4f: {  	_ =	shalt  }
0x50: {  	_ =	shalt  }
0x51: {  	_ =	shalt  }
0x52: {  	_ =	shalt  }
0x53: {  	_ =	shalt  }
0x54: {  	_ =	shalt  }
0x55: {  	_ =	shalt  }
0x56: {  	_ =	shalt  }
0x57: {  	_ =	shalt  }
0x58: {  	_ =	shalt  }
0x59: {  	_ =	shalt  }
0x5a: {  	_ =	shalt  }
0x5b: {  	_ =	shalt  }
0x5c: {  	_ =	shalt  }
0x5d: {  	_ =	shalt  }
0x5e: {  	_ =	shalt  }
0x5f: {  	_ =	shalt  }
0x60: {  	_ =	shalt  }
0x61: {  	_ =	shalt  }
0x62: {  	_ =	shalt  }
0x63: {  	_ =	shalt  }
0x64: {  	_ =	shalt  }
0x65: {  	_ =	shalt  }
0x66: {  	_ =	shalt  }
0x67: {  	_ =	shalt  }
0x68: {  	_ =	shalt  }
0x69: {  	_ =	shalt  }
0x6a: {  	_ =	shalt  }
0x6b: {  	_ =	shalt  }
0x6c: {  	_ =	shalt  }
0x6d: {  	_ =	shalt  }
0x6e: {  	_ =	shalt  }
0x6f: {  	_ =	shalt  }
0x70: {  	_ =	shalt  }
0x71: {  	_ =	shalt  }
0x72: {  	_ =	shalt  }
0x73: {  	_ =	shalt  }
0x74: {  	_ =	shalt  }
0x75: {  	_ =	shalt  }
0x76: {  	_ =	shalt  }
0x77: {  	_ =	shalt  }
0x78: {  	_ =	shalt  }
0x79: {  	_ =	shalt  }
0x7a: {  	_ =	shalt  }
0x7b: {  	_ =	shalt  }
0x7c: {  	_ =	shalt  }
0x7d: {  	_ =	shalt  }
0x7e: {  	_ =	shalt  }
0x7f: {  	_ =	shalt  }
0x80: {  	_ =	shalt  }
0x81: {  	_ =	shalt  }
0x82: {  	_ =	shalt  }
0x83: {  	_ =	shalt  }
0x84: {  	_ =	shalt  }
0x85: {  	_ =	shalt  }
0x86: {  	_ =	shalt  }
0x87: {  	_ =	shalt  }
.Lfunc_end0:
.L_simem_size_0:
called_computation.2_lowered:
.L_overlay_start_0:
0x88: {  	s2 =	sld [smem:$0x3FD9]  }
0x89: {  	s3 =	sld [smem:$0x3FFE];
	_ =	sdelay $0x1  }
0x8a: {  	s1 =	srdreg.scid  }
0x8b: {  	s0 =	sand.u32 $0x1, s1  }
0x8c: {  	s17 =	sshll.u32 s0, $0xA;
	s2 =	sadd.s32 s3, s2  }
0x8d: {  	s2 =	sadd.s32 s2, s17  }
0x8e: {  	[smem:$0x3FBD] =	sst s2  }
0x8f: {  	_ = 	snop  }
0x90: {  	s2 =	sld [smem:$0x3FD0];
	(tm) =	ssettm $0x1  }
0x91: {  	s18 =	sld [smem:$0x3FFB];
	_ =	sdelay $0x3  }
0x92: {  	_ =	strace s18  }
0x93: {  	s3 =	sld [smem:$0x3FFC];
	_ =	sdelay $0x3  }
0x94: {  	_ =	strace s3  }
0x95: {  	s3 =	sld [smem:$0x3FFD];
	_ =	sdelay $0x3  }
0x96: {  	_ =	strace s3  }
0x97: {  	_ =	strace $0x8FFFFFFF  }
0x98: {  	s19 =	sld [smem:$0x3FDB];
	_ =	sdelay $0x1  }
0x99: {  	s4 =	simm.s32 $_scs_section_size  }
0x9a: {  	s5 =	simm.s32 $_size__tile_overlayer_lowered;
	s6 =	simm.s32 $_tile_overlayer_lowered  }
0x9b: {  	s22 =	simm.s32 $0x1BFF;
	s21 =	sshll.u32 s6, $0x1;
	s3 =	sadd.s32 s4, s19  }
0x9c: {  	s7 =	simm.s32 $0x0;
	s20 =	sshll.u32 s5, $0x1;
	s5 =	sadd.s32 s21, s3  }
0x9d: {  	[timem:s7], [sflag:s22] =	dma.local [hbm:s5], s20  }
0x9e: {  	_ =	swait.ge [sflag:s22], s20  }
0x9f: {  	s4 =	ssub.s32 $0x0, s20;
	[sflag:s22] =	ssyncset.done $0x0  }
0xa0: {  	[sflag:s22] =	ssyncadd.s32 s4;
	_ =	sdelay $0x1  }
0xa1: {  	s23 =	simm.s32 $0x1B8B  }
0xa2: {  	_ =	swait.ge [sflag:s23], $0x1  }
0xa3: {  	[sflag:s23] =	ssyncset.done $0x0  }
0xa4: {  	s25 =	simm.s32 $0x1B8E;
	s24 =	sld [smem:$0x3FFE];
	[sflag:s23] =	ssyncadd.s32 $0xFFFFFFFF  }
0xa5: {  	s26 =	simm.s32 $execute0_lowered;
	[smem:$0x3FD2] =	sst s25  }
0xa6: {  	s5 =	sshll.u32 s26, $0x1;
	_ =	strace $0x8000004C;
	[dreg:$0x1] =	wrdreg $0xFFFFFFFF  }
0xa7: {  	s28 =	simm.s32 $_size_execute0_lowered;
	s3 =	sadd.s32 s3, s5;
	[dreg:$0x0] =	wrdreg $0x0  }
0xa8: {  	s5 =	sshll.u32 s28, $0x1;
	[dreg:$0x2] =	wrdreg s3  }
0xa9: {  	[dreg:$0x3] =	wrdreg s5  }
0xaa: {  	[dreg:$0x4] =	wrdreg $0xC0  }
0xab: {  	_ =	task [dreg:s7], $0x5FFFF  }
0xac: {  	[dreg:$0x1] =	wrdreg $0xFFFFFFFF  }
0xad: {  	[dreg:$0x0] =	wrdreg $0x60  }
0xae: {  	[dreg:$0x2] =	wrdreg s24  }
0xaf: {  	[dreg:$0x3] =	wrdreg s2  }
0xb0: {  	[dreg:$0x4] =	wrdreg $0x90000  }
0xb1: {  	[dreg:$0x5] =	wrdreg $0x9  }
0xb2: {  	_ =	task.clear_ibuf [dreg:s7], $0x6FFFF;
	_ =	strace $0x9000004C  }
0xb3: {  	s29 =	simm.s32 $0x9;
	_ =	strace $0x8000004E  }
0xb4: {  	_ =	swait.ge [sflag:s29], $0x1  }
0xb5: {  	[sflag:s29] =	ssyncadd.s32 $0xFFFFFFFF  }
0xb6: {  	_ =	strace $0x9000004E  }
0xb7: {  	_ =	sfence  }
0xb8: {  	s30 =	sld [smem:$0x0];
	_ =	sdelay $0x2  }
0xb9: {  	s31 =	sshll.u32 s1, $0xD;
	s1 =	sshrl.u32 s1, $0x2  }
0xba: {  	s3 =	sand.u32 $0x4000, s31;
	s1 =	sadd.s32 s1, s30  }
0xbb: {  	s0 =	sor.u32 s3, s0;
	s1 =	sshll.u32 s1, $0x11  }
0xbc: {  	s0 =	sor.u32 s1, s0  }
0xbd: {  	s0 =	sadd.s32 $0x8F2B, s0  }
0xbe: {  	[sflag:s0] =	ssyncadd.remote.s32 $0x1  }
0xbf: {  	_ =	sfence.sel $0xFFFF  }
0xc0: {  	[dreg:$0x0] =	wrdreg $0xFFFFFFFF;
	(pc) =	sbr.abs _section_cstart, $3  }
0xc1: {  	[dreg:$0x1] =	wrdreg $0xFFFFFFFF  }
0xc2: {  	_ =	task.clear_ibuf [dreg:s7], $0x2FFFF;
	_ =	strace $0x9FFFFFFF  }
0xc3: {  	(tm) =	ssettm $0x7FFFFFFF  }
tec
execute0_lowered:
.L_overlay_start_1:
0x0: {  	(tag) =	ssettag $0x1  }
0x1: {  	s5 =	rddreg [dreg:$0x0]  }
0x2: {  	s7 =	rddreg [dreg:$0x1]  }
0x3: {  	s1 =	rddreg [dreg:$0x2];
	s2 =	srdreg.scid  }
0x4: {  	s0 =	rddreg [dreg:$0x3];
	s3 =	simm.s32 $0x0;
	s19 =	simm.s32 $0x5000  }
0x5: {  	s20 =	simm.s32 $0x1;
	s21 =	simm.s32 $0x2800;
	s6 =	sand.u32 $0x1, s2  }
0x6: {  	s22 =	simm.s32 $0x7D;
	s2 =	stileid.u32;
	s8 =	smul.u32 $0x140000, s6  }
0x7: {  	[smem:$0x7FF] =	sst s3;
	s4 =	sshll.u32 s6, $0x4;
	s10 =	smul.u32 $0x14000, s2  }
0x8: {  	s6 =	ssub.s32 $0x2, s6;
	s30 =	smul.u32 $0x50000, s2;
	s9 =	sor.u32 s2, s4  }
0x9: {  	_ =	strace $0x8000004D;
	s12 =	sshrl.u32 s6, $0x1;
	s9 =	smul.u32 $0x500, s9  }
0xa: {  	s4 =	sadd.s32 $0x44200, s5;
	s8 =	sadd.s32 s10, s8;
	s12 =	ssub.s32 s6, s12  }
0xb: {  	s31 =	sshrl.u32 s30, $0x2;
	s8 =	sshrl.u32 s8, $0x3;
	s11 =	sadd.s32 s9, s5  }
0xc: {  	s8 =	sadd.s32 s8, s5;
	s5 =	sadd.s32 s31, s1;
	s7 =	sadd.s32 s7, s9  }
0xd: {  	s9 =	smax.u32 s12, $0x1;
	s6 =	sadd.s32 $0x3A200, s11;
	s8 =	sadd.s32 $0xBC200, s8  }
0xe: {  	s10 =	sadd.s32 $0x2000, s5;
	s11 =	sadd.s32 $0x4000, s5;
	s12 =	sadd.s32 $0x6000, s5  }
0xf: {  	s13 =	sadd.s32 $0x8000, s5;
	s14 =	sadd.s32 $0xA000, s5;
	s15 =	sadd.s32 $0xC000, s5  }
0x10: {  	v0 =	vimm.f32 $0.0e+00;
	s16 =	sadd.s32 $0xE000, s5;
	s17 =	sadd.s32 $0x10000, s5;
	s18 =	sadd.s32 $0x12000, s5  }
.LBB2_1:
0x11: {  	s23 =	simm.s32 $0x0;
	s24 =	simm.s32 $0x200  }
.LBB2_2:
0x12: {  	p0 =	sne.s32 s24, $0x7E00;
	[tilespmem:s23+$0x5070] =	vst v0  }
0x13: {  	[tilespmem:s23+$0x5000] =	vst v0  }
0x14: {  	[tilespmem:s23+$0x5010] =	vst v0  }
.Ltmp0:
0x15: {  	[tilespmem:s23+$0x5020] =	vst v0;
	(pc) =	sbr.rel @p0 .LBB2_2-.Ltmp0, $4  }
0x16: {  	[tilespmem:s23+$0x5030] =	vst v0  }
0x17: {  	[tilespmem:s23+$0x5040] =	vst v0  }
0x18: {  	[tilespmem:s23+$0x5050] =	vst v0  }
0x19: {  	[tilespmem:s23+$0x5060] =	vst v0;
	s23 =	sshra.s32 s24, $0x2;
	s24 =	sadd.s32 $0x200, s24  }
0x1a: {  	[tilespmem:s23+$0x5070] =	vst v0  }
0x1b: {  	[tilespmem:s23+$0x5000] =	vst v0  }
0x1c: {  	[tilespmem:s23+$0x5010] =	vst v0  }
0x1d: {  	[tilespmem:s23+$0x5020] =	vst v0  }
0x1e: {  	[tilespmem:s23+$0x5030] =	vst v0  }
0x1f: {  	[tilespmem:s23+$0x5040] =	vst v0  }
0x20: {  	[tilespmem:s23+$0x5050] =	vst v0  }
0x21: {  	[tilespmem:s23+$0x5060] =	vst v0  }
0x22: {  	[spmem:s5] =	stream.linear.scatter [tilespmem:s19], [sflag:$0x1], $0x2000, $0x38;
	[tilespmem:$0x1D000] =	vst v63  }
0x23: {  	_ =	swait.ge [sflag:s20], $0x2000  }
0x24: {  	[sflag:s20] =	ssyncset.done $0x0  }
0x25: {  	[sflag:s20] =	ssyncadd.s32 $0xFFFFE000  }
0x26: {  	[spmem:s10] =	stream.linear.scatter [tilespmem:s19], [sflag:$0x1], $0x2000, $0x38;
	[tilespmem:$0x1D000] =	vst v63  }
0x27: {  	_ =	swait.ge [sflag:s20], $0x2000  }
0x28: {  	[sflag:s20] =	ssyncset.done $0x0  }
0x29: {  	[sflag:s20] =	ssyncadd.s32 $0xFFFFE000  }
0x2a: {  	[spmem:s11] =	stream.linear.scatter [tilespmem:s19], [sflag:$0x1], $0x2000, $0x38;
	[tilespmem:$0x1D000] =	vst v63  }
0x2b: {  	_ =	swait.ge [sflag:s20], $0x2000  }
0x2c: {  	[sflag:s20] =	ssyncset.done $0x0  }
0x2d: {  	[sflag:s20] =	ssyncadd.s32 $0xFFFFE000  }
0x2e: {  	[spmem:s12] =	stream.linear.scatter [tilespmem:s19], [sflag:$0x1], $0x2000, $0x38;
	[tilespmem:$0x1D000] =	vst v63  }
0x2f: {  	_ =	swait.ge [sflag:s20], $0x2000  }
0x30: {  	[sflag:s20] =	ssyncset.done $0x0  }
0x31: {  	[sflag:s20] =	ssyncadd.s32 $0xFFFFE000  }
0x32: {  	[spmem:s13] =	stream.linear.scatter [tilespmem:s19], [sflag:$0x1], $0x2000, $0x38;
	[tilespmem:$0x1D000] =	vst v63  }
0x33: {  	_ =	swait.ge [sflag:s20], $0x2000  }
0x34: {  	[sflag:s20] =	ssyncset.done $0x0  }
0x35: {  	[sflag:s20] =	ssyncadd.s32 $0xFFFFE000  }
0x36: {  	[spmem:s14] =	stream.linear.scatter [tilespmem:s19], [sflag:$0x1], $0x2000, $0x38;
	[tilespmem:$0x1D000] =	vst v63  }
0x37: {  	_ =	swait.ge [sflag:s20], $0x2000  }
0x38: {  	[sflag:s20] =	ssyncset.done $0x0  }
0x39: {  	[sflag:s20] =	ssyncadd.s32 $0xFFFFE000  }
0x3a: {  	[spmem:s15] =	stream.linear.scatter [tilespmem:s19], [sflag:$0x1], $0x2000, $0x38;
	[tilespmem:$0x1D000] =	vst v63  }
0x3b: {  	_ =	swait.ge [sflag:s20], $0x2000  }
0x3c: {  	[sflag:s20] =	ssyncset.done $0x0  }
0x3d: {  	[sflag:s20] =	ssyncadd.s32 $0xFFFFE000  }
0x3e: {  	[spmem:s16] =	stream.linear.scatter [tilespmem:s19], [sflag:$0x1], $0x2000, $0x38;
	[tilespmem:$0x1D000] =	vst v63  }
0x3f: {  	_ =	swait.ge [sflag:s20], $0x2000  }
0x40: {  	[sflag:s20] =	ssyncset.done $0x0  }
0x41: {  	[sflag:s20] =	ssyncadd.s32 $0xFFFFE000  }
0x42: {  	[spmem:s17] =	stream.linear.scatter [tilespmem:s19], [sflag:$0x1], $0x2000, $0x38;
	[tilespmem:$0x1D000] =	vst v63  }
0x43: {  	_ =	swait.ge [sflag:s20], $0x2000  }
0x44: {  	[sflag:s20] =	ssyncset.done $0x0  }
0x45: {  	[sflag:s20] =	ssyncadd.s32 $0xFFFFE000  }
0x46: {  	[spmem:s18] =	stream.linear.scatter [tilespmem:s19], [sflag:$0x1], $0x2000, $0x38;
	[tilespmem:$0x1D000] =	vst v63  }
0x47: {  	_ =	swait.ge [sflag:s20], $0x2000  }
0x48: {  	[sflag:s20] =	ssyncset.done $0x0  }
0x49: {  	[sflag:s20] =	ssyncadd.s32 $0xFFFFE000  }
0x4a: {  	s29 =	simm.s32 $0x0;
	[bflag:$0x0] =	sbarrier.arrive $0xFFFF  }
0x4b: {  	[tilespmem:s29], [sflag:$0x1] =	stream.linear.gather [hbm4b:s6+s29], $0x2800, $0x38;
	[tilespmem:$0x1D000] =	vst v63  }
0x4c: {  	_ =	swait.ge [sflag:s20], $0x2800  }
0x4d: {  	[sflag:s20] =	ssyncset.done $0x0  }
0x4e: {  	[sflag:s20] =	ssyncadd.s32 $0xFFFFD800  }
0x4f: {  	[tilespmem:s21], [sflag:$0x1] =	stream.linear.gather [hbm4b:s7+s29], $0x2800, $0x38;
	[tilespmem:$0x1D000] =	vst v63  }
0x50: {  	_ =	swait.ge [sflag:s20], $0x2800  }
0x51: {  	[sflag:s20] =	ssyncset.done $0x0  }
0x52: {  	s30 =	simm.s32 $0x0;
	[sflag:s20] =	ssyncadd.s32 $0xFFFFD800  }
0x53: {  	[tilespmem:s19], [sflag:$0x1] =	stream.indirect.gather [hbm4b:s4+s22], $0x80, s30, s22, $0xb8;
	[tilespmem:$0x1D000] =	vst v63  }
0x54: {  	_ =	swait.ge [sflag:s20], $0x3E80  }
0x55: {  	[sflag:s20] =	ssyncset.done $0x0  }
0x56: {  	s31 =	simm.s32 $0x2800;
	[sflag:s20] =	ssyncadd.s32 $0xFFFFC180  }
0x57: {  	[spmem:s1] =	stream.indirect.scatter.add.f32 [tilespmem:s19], [sflag:$0x1], $0x80, s31, s22, $0xb8;
	[tilespmem:$0x1D000] =	vst v63  }
0x58: {  	_ =	swait.ge [sflag:s20], $0x3E80  }
0x59: {  	s23 =	simm.s32 $0x200;
	s24 =	simm.s32 $0x400;
	[sflag:s20] =	ssyncset.done $0x0  }
.LBB2_4:
0x5a: {  	s25 =	sshra.s32 s23, $0x2  }
0x5b: {  	[sflag:s20] =	ssyncadd.s32 $0xFFFFC180;
	s23 =	smov.u32 s24;
	s26 =	sadd.s32 $0x200, s24  }
0x5c: {  	[tilespmem:s19], [sflag:$0x1] =	stream.indirect.gather [hbm4b:s4+s22], $0x80, s25, s22, $0xb8;
	[tilespmem:$0x1D000] =	vst v63  }
0x5d: {  	p0 =	sne.s32 s24, $0x9E00;
	_ =	swait.ge [sflag:s20], $0x3E80  }
.Ltmp1:
0x5e: {  	[sflag:s20] =	ssyncset.done $0x0;
	(pc) =	sbr.rel @p0 .LBB2_4-.Ltmp1, $4  }
0x5f: {  	s24 =	sadd.s32 $0x2800, s25;
	[sflag:s20] =	ssyncadd.s32 $0xFFFFC180  }
0x60: {  	[spmem:s1] =	stream.indirect.scatter.add.f32 [tilespmem:s19], [sflag:$0x1], $0x80, s24, s22, $0xb8;
	[tilespmem:$0x1D000] =	vst v63  }
0x61: {  	_ =	swait.ge [sflag:s20], $0x3E80  }
0x62: {  	s24 =	smov.u32 s26;
	[sflag:s20] =	ssyncset.done $0x0  }
0x63: {  	s23 =	sshra.s32 s23, $0x2;
	[sflag:s20] =	ssyncadd.s32 $0xFFFFC180  }
0x64: {  	[tilespmem:s19], [sflag:$0x1] =	stream.indirect.gather [hbm4b:s4+s22], $0x80, s23, s22, $0xb8;
	[tilespmem:$0x1D000] =	vst v63  }
0x65: {  	_ =	swait.ge [sflag:s20], $0x3E80  }
0x66: {  	[sflag:s20] =	ssyncset.done $0x0  }
0x67: {  	s23 =	sadd.s32 $0x2800, s23;
	[sflag:s20] =	ssyncadd.s32 $0xFFFFC180  }
0x68: {  	[spmem:s1] =	stream.indirect.scatter.add.f32 [tilespmem:s19], [sflag:$0x1], $0x80, s23, s22, $0xb8;
	[tilespmem:$0x1D000] =	vst v63  }
0x69: {  	_ =	swait.ge [sflag:s20], $0x3E80  }
0x6a: {  	s31 =	sshll.u32 s2, $0x6;
	s3 =	sadd.s32 $0x1, s3;
	[sflag:s20] =	ssyncset.done $0x0  }
0x6b: {  	s24 =	sshrl.u32 s5, $0x3;
	p0 =	sne.s32 s3, s9;
	[sflag:s20] =	ssyncadd.s32 $0xFFFFC180  }
.Ltmp2:
0x6c: {  	s23 =	sor.u32 $0x1C01, s31;
	[bflag:$0x0] =	sbarrier.arrive $0xFFFF;
	(pc) =	sbr.rel @p0 .LBB2_1-.Ltmp2, $4  }
0x6d: {  	[hbm:s8], [sflag:s23] =	dma.local [spmem:s24], $0x2800  }
0x6e: {  	_ =	swait.ge [sflag:s20], $0x2800  }
0x6f: {  	[sflag:s20] =	ssyncset.done $0x0  }
0x70: {  	[sflag:s20] =	ssyncadd.s32 $0xFFFFD800  }
0x71: {  	_ =	sfence.sel $0x180000  }
0x72: {  	[bflag:$0x0] =	sbarrier.arrive $0xFFFF  }
0x73: {  	p0 =	sne.s32 s2, $0x0;
	_ =	strace $0x9000004D  }
0x74: {  	s0 =	sadd.s32 @!p0 $0x100000, s0;
	[bflag:$0x2] =	sbarrier.arrive $0xFFFF  }
0x75: {  	[sflag:s0] =	ssyncadd.tile.s32 @!p0 $0x1;
	_ =	shalt  }
.Lfunc_end2:
_tile_overlayer_lowered:
.L_overlay_start_2:
0x76: {  	(tag) =	ssettag $0x2  }
0x77: {  	s0 =	rddreg [dreg:$0x0];
	s2 =	stileid.u32  }
0x78: {  	s1 =	rddreg [dreg:$0x1];
	p0 =	sne.s32 s2, $0x0  }
0x79: {  	s3 =	rddreg [dreg:$0x2];
	[bflag:$0x3] =	sbarrier.arrive $0xFFFF;
	s2 =	simm.s32 @!p0 $0x1C01  }
0x7a: {  	[timem:s3], [sflag:s2] =	dma.local @!p0 [hbm:s0], s1  }
0x7b: {  	s0 =	simm.s32 @!p0 $0x1  }
0x7c: {  	_ =	swait.ge @!p0 [sflag:s0], s1  }
0x7d: {  	s1 =	ssub.s32 @!p0 $0x0, s1;
	[sflag:s0] =	ssyncset.done @!p0 $0x0  }
0x7e: {  	[sflag:s0] =	ssyncadd.s32 @!p0 s1  }
0x7f: {  	[bflag:$0x3] =	sbarrier.arrive $0xFFFF  }
0x80: {  	_ =	shalt  }

// kernel: kernel.19.cloned.1.call-start
scs
__scs_entry_jumppad:
0x0: {  	(pc) =	sbr.rel $0x88, $3  }
0x1: {  	(tag) =	ssettag $0x0;
	lr =	simm.s32 $0x1  }
0x2: {  	[smem:$0x3F96] =	sst lr;
	_ =	strace $0xD0000000  }
0x3: {  	_ = 	snop  }
0x4: {  	_ = 	snop  }
0x5: {  	_ = 	snop  }
0x6: {  	_ = 	snop  }
0x7: {  	_ = 	snop  }
__scs_overlays_trampoline_lowered:
0x8: {  	[smem:$0x3FA5] =	sst s0  }
0x9: {  	[smem:$0x3FA6] =	sst s1  }
0xa: {  	[smem:$0x3FA7] =	sst s2  }
0xb: {  	[smem:$0x3FA8] =	sst s3  }
0xc: {  	[smem:$0x3FA9] =	sst s4  }
0xd: {  	[smem:$0x3FAA] =	sst s5  }
0xe: {  	[smem:$0x3FAB] =	sst s6  }
0xf: {  	[smem:$0x3FAC] =	sst s7  }
0x10: {  	[smem:$0x3FAD] =	sst s8  }
0x11: {  	[smem:$0x3FAE] =	sst s9;
	s0 =	simm.s32 @!p0 $0x0  }
0x12: {  	s1 =	sld [smem:$0x3F94];
	s0 =	simm.s32 @p0 $0x1  }
0x13: {  	[smem:$0x3FAF] =	sst s0;
	s0 =	simm.s32 @!p1 $0x0  }
0x14: {  	s2 =	sld [smem:$0x3F93];
	s0 =	simm.s32 @p1 $0x1  }
0x15: {  	[smem:$0x3FB0] =	sst s0;
	s0 =	simm.s32 @!p2 $0x0  }
0x16: {  	s3 =	sld [smem:$0x3FDB];
	s0 =	simm.s32 @p2 $0x1  }
0x17: {  	s4 =	simm.s32 $0x1BF5;
	[smem:$0x3FB2] =	sst s0  }
0x18: {  	s0 =	sld [smem:$0x3F95];
	_ =	swait.ge [sflag:s4], $0x0  }
0x19: {  	s7 =	sld [smem:$0x3F96]  }
0x1a: {  	s8 =	sadd.s32 $0xFFFFE003, lr  }
0x1b: {  	s9 =	sadd.s32 $0xFFFFFEF7, lr;
	s5 =	simm.s32 $0xFFFFFFFF;
	p2 =	slt.u32 s8, $0xFFFFF086  }
0x1c: {  	p1 =	slt.u32 s9, $0xF7A;
	s5 =	simm.s32 @!p2 $0x0  }
0x1d: {  	s5 =	simm.s32 @p1 $0x1;
	p0 =	seq.s32 s7, s2  }
0x1e: {  	s7 =	smul.u32 @!p0 $0xF7A, s2;
	p2 =	seq.s32 @!p0 s5, $0x0  }
0x1f: {  	s9 =	smul.u32 $0xF7A, s1;
	s8 =	simm.s32 @!p0 $0x1BF5;
	p2 =	por !p2, p0  }
0x20: {  	[sflag:s8] =	ssyncset.s32 @!p0 $0xFFFFF086;
	s6 =	sadd.s32 @!p0 s3, s7;
	s7 =	simm.s32 @!p0 $0x108  }
0x21: {  	s3 =	sadd.s32 s3, s9;
	s6 =	sadd.s32 @!p0 $0x88, s6;
	s7 =	simm.s32 @p2 $0x1082  }
0x22: {  	[simem:s7], [sflag:s8] =	dma.local @!p0 [hbm:s6], $0xF7A  }
0x23: {  	s9 =	sor.u32 $0xD0000000, s2;
	s6 =	simm.s32 $0x108;
	_ =	swait.ge @!p0 [sflag:s8], $0x0  }
0x24: {  	s3 =	sadd.s32 $0x88, s3;
	s6 =	simm.s32 @!p1 $0x1082;
	[sflag:s4] =	ssyncset.s32 $0xFFFFF086  }
0x25: {  	[simem:s6], [sflag:s4] =	dma.local [hbm:s3], $0xF7A  }
0x26: {  	[smem:$0x3F96] =	sst s1;
	(tag) =	ssettag s2;
	_ =	strace s9  }
0x27: {  	s1 =	sld [smem:$0x3FA6]  }
0x28: {  	s2 =	sld [smem:$0x3FA7]  }
0x29: {  	s4 =	sld [smem:$0x3FA9]  }
0x2a: {  	p0 =	seq.s32 s5, $0x0;
	s5 =	sld [smem:$0x3FAA]  }
0x2b: {  	s6 =	sld [smem:$0x3FAB]  }
0x2c: {  	s7 =	sld [smem:$0x3FAC]  }
0x2d: {  	s3 =	simm.s32 $0x108;
	s8 =	sld [smem:$0x3FAD]  }
0x2e: {  	s3 =	simm.s32 @!p0 $0x1082;
	s9 =	sld [smem:$0x3FAE]  }
0x2f: {  	lr =	sadd.s32 s0, s3;
	s0 =	sld [smem:$0x3FA5]  }
0x30: {  	s3 =	sld [smem:$0x3FA8]  }
0x31: {  	[smem:$0x3FB1] =	sst s10  }
0x32: {  	s10 =	sld [smem:$0x3FAF];
	_ =	sdelay $0x3  }
0x33: {  	p0 =	seq.s32 s10, $0x1;
	s10 =	sld [smem:$0x3FB1];
	_ =	sdelay $0x3  }
0x34: {  	[smem:$0x3FB1] =	sst s10  }
0x35: {  	s10 =	sld [smem:$0x3FB0];
	_ =	sdelay $0x3  }
0x36: {  	p1 =	seq.s32 s10, $0x1;
	s10 =	sld [smem:$0x3FB1];
	_ =	sdelay $0x3  }
0x37: {  	[smem:$0x3FB1] =	sst s10  }
0x38: {  	s10 =	sld [smem:$0x3FB2]  }
0x39: {  	_ = 	snop;
	(pc) =	sbr.ind lr, $3  }
0x3a: {  	_ = 	snop  }
0x3b: {  	_ = 	snop  }
0x3c: {  	p2 =	seq.s32 s10, $0x1;
	s10 =	sld [smem:$0x3FB1]  }
0x3d: {  	_ =	shalt  }
0x3e: {  	_ =	shalt  }
0x3f: {  	_ =	shalt  }
0x40: {  	_ =	shalt  }
0x41: {  	_ =	shalt  }
0x42: {  	_ =	shalt  }
0x43: {  	_ =	shalt  }
0x44: {  	_ =	shalt  }
0x45: {  	_ =	shalt  }
0x46: {  	_ =	shalt  }
0x47: {  	_ =	shalt  }
0x48: {  	_ =	shalt  }
0x49: {  	_ =	shalt  }
0x4a: {  	_ =	shalt  }
0x4b: {  	_ =	shalt  }
0x4c: {  	_ =	shalt  }
0x4d: {  	_ =	shalt  }
0x4e: {  	_ =	shalt  }
0x4f: {  	_ =	shalt  }
0x50: {  	_ =	shalt  }
0x51: {  	_ =	shalt  }
0x52: {  	_ =	shalt  }
0x53: {  	_ =	shalt  }
0x54: {  	_ =	shalt  }
0x55: {  	_ =	shalt  }
0x56: {  	_ =	shalt  }
0x57: {  	_ =	shalt  }
0x58: {  	_ =	shalt  }
0x59: {  	_ =	shalt  }
0x5a: {  	_ =	shalt  }
0x5b: {  	_ =	shalt  }
0x5c: {  	_ =	shalt  }
0x5d: {  	_ =	shalt  }
0x5e: {  	_ =	shalt  }
0x5f: {  	_ =	shalt  }
0x60: {  	_ =	shalt  }
0x61: {  	_ =	shalt  }
0x62: {  	_ =	shalt  }
0x63: {  	_ =	shalt  }
0x64: {  	_ =	shalt  }
0x65: {  	_ =	shalt  }
0x66: {  	_ =	shalt  }
0x67: {  	_ =	shalt  }
0x68: {  	_ =	shalt  }
0x69: {  	_ =	shalt  }
0x6a: {  	_ =	shalt  }
0x6b: {  	_ =	shalt  }
0x6c: {  	_ =	shalt  }
0x6d: {  	_ =	shalt  }
0x6e: {  	_ =	shalt  }
0x6f: {  	_ =	shalt  }
0x70: {  	_ =	shalt  }
0x71: {  	_ =	shalt  }
0x72: {  	_ =	shalt  }
0x73: {  	_ =	shalt  }
0x74: {  	_ =	shalt  }
0x75: {  	_ =	shalt  }
0x76: {  	_ =	shalt  }
0x77: {  	_ =	shalt  }
0x78: {  	_ =	shalt  }
0x79: {  	_ =	shalt  }
0x7a: {  	_ =	shalt  }
0x7b: {  	_ =	shalt  }
0x7c: {  	_ =	shalt  }
0x7d: {  	_ =	shalt  }
0x7e: {  	_ =	shalt  }
0x7f: {  	_ =	shalt  }
0x80: {  	_ =	shalt  }
0x81: {  	_ =	shalt  }
0x82: {  	_ =	shalt  }
0x83: {  	_ =	shalt  }
0x84: {  	_ =	shalt  }
0x85: {  	_ =	shalt  }
0x86: {  	_ =	shalt  }
0x87: {  	_ =	shalt  }
.Lfunc_end0:
.L_simem_size_0:
called_computation.3_lowered:
.L_overlay_start_0:
0x88: {  	s2 =	sld [smem:$0x3FD9]  }
0x89: {  	s3 =	sld [smem:$0x3FFE];
	_ =	sdelay $0x1  }
0x8a: {  	s1 =	srdreg.scid  }
0x8b: {  	s0 =	sand.u32 $0x1, s1  }
0x8c: {  	s17 =	sshll.u32 s0, $0xA;
	s2 =	sadd.s32 s3, s2  }
0x8d: {  	s2 =	sadd.s32 s2, s17  }
0x8e: {  	[smem:$0x3FBD] =	sst s2  }
0x8f: {  	_ = 	snop  }
0x90: {  	s2 =	sld [smem:$0x3FD0];
	(tm) =	ssettm $0x1  }
0x91: {  	s18 =	sld [smem:$0x3FFB];
	_ =	sdelay $0x3  }
0x92: {  	_ =	strace s18  }
0x93: {  	s3 =	sld [smem:$0x3FFC];
	_ =	sdelay $0x3  }
0x94: {  	_ =	strace s3  }
0x95: {  	s3 =	sld [smem:$0x3FFD];
	_ =	sdelay $0x3  }
0x96: {  	_ =	strace s3  }
0x97: {  	_ =	strace $0x8FFFFFFF  }
0x98: {  	s19 =	sld [smem:$0x3FDB];
	_ =	sdelay $0x1  }
0x99: {  	s4 =	simm.s32 $_scs_section_size  }
0x9a: {  	s5 =	simm.s32 $_size__tile_overlayer_lowered;
	s6 =	simm.s32 $_tile_overlayer_lowered  }
0x9b: {  	s22 =	simm.s32 $0x1BFF;
	s21 =	sshll.u32 s6, $0x1;
	s3 =	sadd.s32 s4, s19  }
0x9c: {  	s7 =	simm.s32 $0x0;
	s20 =	sshll.u32 s5, $0x1;
	s5 =	sadd.s32 s21, s3  }
0x9d: {  	[timem:s7], [sflag:s22] =	dma.local [hbm:s5], s20  }
0x9e: {  	_ =	swait.ge [sflag:s22], s20  }
0x9f: {  	s4 =	ssub.s32 $0x0, s20;
	[sflag:s22] =	ssyncset.done $0x0  }
0xa0: {  	[sflag:s22] =	ssyncadd.s32 s4;
	_ =	sdelay $0x1  }
0xa1: {  	s23 =	simm.s32 $0x1B8B  }
0xa2: {  	_ =	swait.ge [sflag:s23], $0x1  }
0xa3: {  	[sflag:s23] =	ssyncset.done $0x0  }
0xa4: {  	s25 =	simm.s32 $0x1B8E;
	s24 =	sld [smem:$0x3FFE];
	[sflag:s23] =	ssyncadd.s32 $0xFFFFFFFF  }
0xa5: {  	s26 =	simm.s32 $execute0_lowered;
	[smem:$0x3FD2] =	sst s25  }
0xa6: {  	s5 =	sshll.u32 s26, $0x1;
	_ =	strace $0x8000004F;
	[dreg:$0x1] =	wrdreg $0xFFFFFFFF  }
0xa7: {  	s28 =	simm.s32 $_size_execute0_lowered;
	s3 =	sadd.s32 s3, s5;
	[dreg:$0x0] =	wrdreg $0x0  }
0xa8: {  	s5 =	sshll.u32 s28, $0x1;
	[dreg:$0x2] =	wrdreg s3  }
0xa9: {  	[dreg:$0x3] =	wrdreg s5  }
0xaa: {  	[dreg:$0x4] =	wrdreg $0xC0  }
0xab: {  	_ =	task [dreg:s7], $0x5FFFF  }
0xac: {  	[dreg:$0x1] =	wrdreg $0xFFFFFFFF  }
0xad: {  	[dreg:$0x0] =	wrdreg $0x60  }
0xae: {  	[dreg:$0x2] =	wrdreg s24  }
0xaf: {  	[dreg:$0x3] =	wrdreg s2  }
0xb0: {  	[dreg:$0x4] =	wrdreg $0x90000  }
0xb1: {  	[dreg:$0x5] =	wrdreg $0x9  }
0xb2: {  	_ =	task.clear_ibuf [dreg:s7], $0x6FFFF;
	_ =	strace $0x9000004F  }
0xb3: {  	s29 =	simm.s32 $0x9;
	_ =	strace $0x80000051  }
0xb4: {  	_ =	swait.ge [sflag:s29], $0x1  }
0xb5: {  	[sflag:s29] =	ssyncadd.s32 $0xFFFFFFFF  }
0xb6: {  	_ =	strace $0x90000051  }
0xb7: {  	_ =	sfence  }
0xb8: {  	s30 =	sld [smem:$0x0];
	_ =	sdelay $0x2  }
0xb9: {  	s31 =	sshll.u32 s1, $0xD;
	s1 =	sshrl.u32 s1, $0x2  }
0xba: {  	s3 =	sand.u32 $0x4000, s31;
	s1 =	sadd.s32 s1, s30  }
0xbb: {  	s0 =	sor.u32 s3, s0;
	s1 =	sshll.u32 s1, $0x11  }
0xbc: {  	s0 =	sor.u32 s1, s0  }
0xbd: {  	s0 =	sadd.s32 $0x8F2B, s0  }
0xbe: {  	[sflag:s0] =	ssyncadd.remote.s32 $0x1  }
0xbf: {  	_ =	sfence.sel $0xFFFF  }
0xc0: {  	[dreg:$0x0] =	wrdreg $0xFFFFFFFF;
	(pc) =	sbr.abs _section_cstart, $3  }
0xc1: {  	[dreg:$0x1] =	wrdreg $0xFFFFFFFF  }
0xc2: {  	_ =	task.clear_ibuf [dreg:s7], $0x2FFFF;
	_ =	strace $0x9FFFFFFF  }
0xc3: {  	(tm) =	ssettm $0x7FFFFFFF  }
tec
execute0_lowered:
.L_overlay_start_1:
0x0: {  	(tag) =	ssettag $0x1  }
0x1: {  	s5 =	rddreg [dreg:$0x0]  }
0x2: {  	s7 =	rddreg [dreg:$0x1]  }
0x3: {  	s1 =	rddreg [dreg:$0x2];
	s2 =	srdreg.scid  }
0x4: {  	s0 =	rddreg [dreg:$0x3];
	s3 =	simm.s32 $0x0;
	s19 =	simm.s32 $0x5000  }
0x5: {  	s20 =	simm.s32 $0x1;
	s21 =	simm.s32 $0x2800;
	s6 =	sand.u32 $0x1, s2  }
0x6: {  	s22 =	simm.s32 $0x7D;
	s2 =	stileid.u32;
	s8 =	smul.u32 $0x140000, s6  }
0x7: {  	[smem:$0x7FF] =	sst s3;
	s4 =	sshll.u32 s6, $0x4;
	s10 =	smul.u32 $0x14000, s2  }
0x8: {  	s6 =	ssub.s32 $0x2, s6;
	s30 =	smul.u32 $0x50000, s2;
	s9 =	sor.u32 s2, s4  }
0x9: {  	_ =	strace $0x80000050;
	s12 =	sshrl.u32 s6, $0x1;
	s9 =	smul.u32 $0x500, s9  }
0xa: {  	s4 =	sadd.s32 $0x44200, s5;
	s8 =	sadd.s32 s10, s8;
	s12 =	ssub.s32 s6, s12  }
0xb: {  	s31 =	sshrl.u32 s30, $0x2;
	s8 =	sshrl.u32 s8, $0x3;
	s11 =	sadd.s32 s9, s5  }
0xc: {  	s8 =	sadd.s32 s8, s5;
	s5 =	sadd.s32 s31, s1;
	s7 =	sadd.s32 s7, s9  }
0xd: {  	s9 =	smax.u32 s12, $0x1;
	s6 =	sadd.s32 $0x3A200, s11;
	s8 =	sadd.s32 $0x94200, s8  }
0xe: {  	s10 =	sadd.s32 $0x2000, s5;
	s11 =	sadd.s32 $0x4000, s5;
	s12 =	sadd.s32 $0x6000, s5  }
0xf: {  	s13 =	sadd.s32 $0x8000, s5;
	s14 =	sadd.s32 $0xA000, s5;
	s15 =	sadd.s32 $0xC000, s5  }
0x10: {  	v0 =	vimm.f32 $0.0e+00;
	s16 =	sadd.s32 $0xE000, s5;
	s17 =	sadd.s32 $0x10000, s5;
	s18 =	sadd.s32 $0x12000, s5  }
.LBB2_1:
0x11: {  	s23 =	simm.s32 $0x0;
	s24 =	simm.s32 $0x200  }
.LBB2_2:
0x12: {  	p0 =	sne.s32 s24, $0x7E00;
	[tilespmem:s23+$0x5070] =	vst v0  }
0x13: {  	[tilespmem:s23+$0x5000] =	vst v0  }
0x14: {  	[tilespmem:s23+$0x5010] =	vst v0  }
.Ltmp0:
0x15: {  	[tilespmem:s23+$0x5020] =	vst v0;
	(pc) =	sbr.rel @p0 .LBB2_2-.Ltmp0, $4  }
0x16: {  	[tilespmem:s23+$0x5030] =	vst v0  }
0x17: {  	[tilespmem:s23+$0x5040] =	vst v0  }
0x18: {  	[tilespmem:s23+$0x5050] =	vst v0  }
0x19: {  	[tilespmem:s23+$0x5060] =	vst v0;
	s23 =	sshra.s32 s24, $0x2;
	s24 =	sadd.s32 $0x200, s24  }
0x1a: {  	[tilespmem:s23+$0x5070] =	vst v0  }
0x1b: {  	[tilespmem:s23+$0x5000] =	vst v0  }
0x1c: {  	[tilespmem:s23+$0x5010] =	vst v0  }
0x1d: {  	[tilespmem:s23+$0x5020] =	vst v0  }
0x1e: {  	[tilespmem:s23+$0x5030] =	vst v0  }
0x1f: {  	[tilespmem:s23+$0x5040] =	vst v0  }
0x20: {  	[tilespmem:s23+$0x5050] =	vst v0  }
0x21: {  	[tilespmem:s23+$0x5060] =	vst v0  }
0x22: {  	[spmem:s5] =	stream.linear.scatter [tilespmem:s19], [sflag:$0x1], $0x2000, $0x38;
	[tilespmem:$0x1D000] =	vst v63  }
0x23: {  	_ =	swait.ge [sflag:s20], $0x2000  }
0x24: {  	[sflag:s20] =	ssyncset.done $0x0  }
0x25: {  	[sflag:s20] =	ssyncadd.s32 $0xFFFFE000  }
0x26: {  	[spmem:s10] =	stream.linear.scatter [tilespmem:s19], [sflag:$0x1], $0x2000, $0x38;
	[tilespmem:$0x1D000] =	vst v63  }
0x27: {  	_ =	swait.ge [sflag:s20], $0x2000  }
0x28: {  	[sflag:s20] =	ssyncset.done $0x0  }
0x29: {  	[sflag:s20] =	ssyncadd.s32 $0xFFFFE000  }
0x2a: {  	[spmem:s11] =	stream.linear.scatter [tilespmem:s19], [sflag:$0x1], $0x2000, $0x38;
	[tilespmem:$0x1D000] =	vst v63  }
0x2b: {  	_ =	swait.ge [sflag:s20], $0x2000  }
0x2c: {  	[sflag:s20] =	ssyncset.done $0x0  }
0x2d: {  	[sflag:s20] =	ssyncadd.s32 $0xFFFFE000  }
0x2e: {  	[spmem:s12] =	stream.linear.scatter [tilespmem:s19], [sflag:$0x1], $0x2000, $0x38;
	[tilespmem:$0x1D000] =	vst v63  }
0x2f: {  	_ =	swait.ge [sflag:s20], $0x2000  }
0x30: {  	[sflag:s20] =	ssyncset.done $0x0  }
0x31: {  	[sflag:s20] =	ssyncadd.s32 $0xFFFFE000  }
0x32: {  	[spmem:s13] =	stream.linear.scatter [tilespmem:s19], [sflag:$0x1], $0x2000, $0x38;
	[tilespmem:$0x1D000] =	vst v63  }
0x33: {  	_ =	swait.ge [sflag:s20], $0x2000  }
0x34: {  	[sflag:s20] =	ssyncset.done $0x0  }
0x35: {  	[sflag:s20] =	ssyncadd.s32 $0xFFFFE000  }
0x36: {  	[spmem:s14] =	stream.linear.scatter [tilespmem:s19], [sflag:$0x1], $0x2000, $0x38;
	[tilespmem:$0x1D000] =	vst v63  }
0x37: {  	_ =	swait.ge [sflag:s20], $0x2000  }
0x38: {  	[sflag:s20] =	ssyncset.done $0x0  }
0x39: {  	[sflag:s20] =	ssyncadd.s32 $0xFFFFE000  }
0x3a: {  	[spmem:s15] =	stream.linear.scatter [tilespmem:s19], [sflag:$0x1], $0x2000, $0x38;
	[tilespmem:$0x1D000] =	vst v63  }
0x3b: {  	_ =	swait.ge [sflag:s20], $0x2000  }
0x3c: {  	[sflag:s20] =	ssyncset.done $0x0  }
0x3d: {  	[sflag:s20] =	ssyncadd.s32 $0xFFFFE000  }
0x3e: {  	[spmem:s16] =	stream.linear.scatter [tilespmem:s19], [sflag:$0x1], $0x2000, $0x38;
	[tilespmem:$0x1D000] =	vst v63  }
0x3f: {  	_ =	swait.ge [sflag:s20], $0x2000  }
0x40: {  	[sflag:s20] =	ssyncset.done $0x0  }
0x41: {  	[sflag:s20] =	ssyncadd.s32 $0xFFFFE000  }
0x42: {  	[spmem:s17] =	stream.linear.scatter [tilespmem:s19], [sflag:$0x1], $0x2000, $0x38;
	[tilespmem:$0x1D000] =	vst v63  }
0x43: {  	_ =	swait.ge [sflag:s20], $0x2000  }
0x44: {  	[sflag:s20] =	ssyncset.done $0x0  }
0x45: {  	[sflag:s20] =	ssyncadd.s32 $0xFFFFE000  }
0x46: {  	[spmem:s18] =	stream.linear.scatter [tilespmem:s19], [sflag:$0x1], $0x2000, $0x38;
	[tilespmem:$0x1D000] =	vst v63  }
0x47: {  	_ =	swait.ge [sflag:s20], $0x2000  }
0x48: {  	[sflag:s20] =	ssyncset.done $0x0  }
0x49: {  	[sflag:s20] =	ssyncadd.s32 $0xFFFFE000  }
0x4a: {  	s29 =	simm.s32 $0x0;
	[bflag:$0x0] =	sbarrier.arrive $0xFFFF  }
0x4b: {  	[tilespmem:s29], [sflag:$0x1] =	stream.linear.gather [hbm4b:s6+s29], $0x2800, $0x38;
	[tilespmem:$0x1D000] =	vst v63  }
0x4c: {  	_ =	swait.ge [sflag:s20], $0x2800  }
0x4d: {  	[sflag:s20] =	ssyncset.done $0x0  }
0x4e: {  	[sflag:s20] =	ssyncadd.s32 $0xFFFFD800  }
0x4f: {  	[tilespmem:s21], [sflag:$0x1] =	stream.linear.gather [hbm4b:s7+s29], $0x2800, $0x38;
	[tilespmem:$0x1D000] =	vst v63  }
0x50: {  	_ =	swait.ge [sflag:s20], $0x2800  }
0x51: {  	[sflag:s20] =	ssyncset.done $0x0  }
0x52: {  	s30 =	simm.s32 $0x0;
	[sflag:s20] =	ssyncadd.s32 $0xFFFFD800  }
0x53: {  	[tilespmem:s19], [sflag:$0x1] =	stream.indirect.gather [hbm4b:s4+s22], $0x80, s30, s22, $0xb8;
	[tilespmem:$0x1D000] =	vst v63  }
0x54: {  	_ =	swait.ge [sflag:s20], $0x3E80  }
0x55: {  	[sflag:s20] =	ssyncset.done $0x0  }
0x56: {  	s31 =	simm.s32 $0x2800;
	[sflag:s20] =	ssyncadd.s32 $0xFFFFC180  }
0x57: {  	[spmem:s1] =	stream.indirect.scatter.add.f32 [tilespmem:s19], [sflag:$0x1], $0x80, s31, s22, $0xb8;
	[tilespmem:$0x1D000] =	vst v63  }
0x58: {  	_ =	swait.ge [sflag:s20], $0x3E80  }
0x59: {  	s23 =	simm.s32 $0x200;
	s24 =	simm.s32 $0x400;
	[sflag:s20] =	ssyncset.done $0x0  }
.LBB2_4:
0x5a: {  	s25 =	sshra.s32 s23, $0x2  }
0x5b: {  	[sflag:s20] =	ssyncadd.s32 $0xFFFFC180;
	s23 =	smov.u32 s24;
	s26 =	sadd.s32 $0x200, s24  }
0x5c: {  	[tilespmem:s19], [sflag:$0x1] =	stream.indirect.gather [hbm4b:s4+s22], $0x80, s25, s22, $0xb8;
	[tilespmem:$0x1D000] =	vst v63  }
0x5d: {  	p0 =	sne.s32 s24, $0x9E00;
	_ =	swait.ge [sflag:s20], $0x3E80  }
.Ltmp1:
0x5e: {  	[sflag:s20] =	ssyncset.done $0x0;
	(pc) =	sbr.rel @p0 .LBB2_4-.Ltmp1, $4  }
0x5f: {  	s24 =	sadd.s32 $0x2800, s25;
	[sflag:s20] =	ssyncadd.s32 $0xFFFFC180  }
0x60: {  	[spmem:s1] =	stream.indirect.scatter.add.f32 [tilespmem:s19], [sflag:$0x1], $0x80, s24, s22, $0xb8;
	[tilespmem:$0x1D000] =	vst v63  }
0x61: {  	_ =	swait.ge [sflag:s20], $0x3E80  }
0x62: {  	s24 =	smov.u32 s26;
	[sflag:s20] =	ssyncset.done $0x0  }
0x63: {  	s23 =	sshra.s32 s23, $0x2;
	[sflag:s20] =	ssyncadd.s32 $0xFFFFC180  }
0x64: {  	[tilespmem:s19], [sflag:$0x1] =	stream.indirect.gather [hbm4b:s4+s22], $0x80, s23, s22, $0xb8;
	[tilespmem:$0x1D000] =	vst v63  }
0x65: {  	_ =	swait.ge [sflag:s20], $0x3E80  }
0x66: {  	[sflag:s20] =	ssyncset.done $0x0  }
0x67: {  	s23 =	sadd.s32 $0x2800, s23;
	[sflag:s20] =	ssyncadd.s32 $0xFFFFC180  }
0x68: {  	[spmem:s1] =	stream.indirect.scatter.add.f32 [tilespmem:s19], [sflag:$0x1], $0x80, s23, s22, $0xb8;
	[tilespmem:$0x1D000] =	vst v63  }
0x69: {  	_ =	swait.ge [sflag:s20], $0x3E80  }
0x6a: {  	s31 =	sshll.u32 s2, $0x6;
	s3 =	sadd.s32 $0x1, s3;
	[sflag:s20] =	ssyncset.done $0x0  }
0x6b: {  	s24 =	sshrl.u32 s5, $0x3;
	p0 =	sne.s32 s3, s9;
	[sflag:s20] =	ssyncadd.s32 $0xFFFFC180  }
.Ltmp2:
0x6c: {  	s23 =	sor.u32 $0x1C01, s31;
	[bflag:$0x0] =	sbarrier.arrive $0xFFFF;
	(pc) =	sbr.rel @p0 .LBB2_1-.Ltmp2, $4  }
0x6d: {  	[hbm:s8], [sflag:s23] =	dma.local [spmem:s24], $0x2800  }
0x6e: {  	_ =	swait.ge [sflag:s20], $0x2800  }
0x6f: {  	[sflag:s20] =	ssyncset.done $0x0  }
0x70: {  	[sflag:s20] =	ssyncadd.s32 $0xFFFFD800  }
0x71: {  	_ =	sfence.sel $0x180000  }
0x72: {  	[bflag:$0x0] =	sbarrier.arrive $0xFFFF  }
0x73: {  	p0 =	sne.s32 s2, $0x0;
	_ =	strace $0x90000050  }
0x74: {  	s0 =	sadd.s32 @!p0 $0x100000, s0;
	[bflag:$0x2] =	sbarrier.arrive $0xFFFF  }
0x75: {  	[sflag:s0] =	ssyncadd.tile.s32 @!p0 $0x1;
	_ =	shalt  }
.Lfunc_end2:
_tile_overlayer_lowered:
.L_overlay_start_2:
0x76: {  	(tag) =	ssettag $0x2  }
0x77: {  	s0 =	rddreg [dreg:$0x0];
	s2 =	stileid.u32  }
0x78: {  	s1 =	rddreg [dreg:$0x1];
	p0 =	sne.s32 s2, $0x0  }
0x79: {  	s3 =	rddreg [dreg:$0x2];
	[bflag:$0x3] =	sbarrier.arrive $0xFFFF;
	s2 =	simm.s32 @!p0 $0x1C01  }
0x7a: {  	[timem:s3], [sflag:s2] =	dma.local @!p0 [hbm:s0], s1  }
0x7b: {  	s0 =	simm.s32 @!p0 $0x1  }
0x7c: {  	_ =	swait.ge @!p0 [sflag:s0], s1  }
0x7d: {  	s1 =	ssub.s32 @!p0 $0x0, s1;
	[sflag:s0] =	ssyncset.done @!p0 $0x0  }
0x7e: {  	[sflag:s0] =	ssyncadd.s32 @!p0 s1  }
0x7f: {  	[bflag:$0x3] =	sbarrier.arrive $0xFFFF  }
0x80: {  	_ =	shalt  }

</sc_bundles>
